<compile_context>
chip_gen: v7x
topology: tpu7x:2x2x1
jax: 0.10.2.dev20260603
libtpu: 0.0.44.dev20260713+nightly
codegen_flags: <defaults>
</compile_context>

<pallas_src>
import functools

import jax
import jax.numpy as jnp
from jax import lax
from jax.experimental import pallas as pl
from jax.experimental.pallas import tpu as pltpu
from jax.experimental.pallas import tpu_sc as plsc

_B, _Z, _M, _T = 1024, 32, 8, 256
_NC, _NS, _L = 2, 16, 16
_NW = _NC * _NS
_OPW = _B * _Z * _M // _NW
_BPW = _B // _NW
_QPW = _BPW * _M
_NQ = 4
_BPQ = _BPW // _NQ
_EPQ = _OPW // _NQ
_RPQ = _EPQ // _M


def _tec_body(tin_hbm, tbg_hbm, src_hbm, out_hbm,
              tbg_v, tin_v, tidx_v, idx_v, gat_v, pad_a, pad_b,
              gsem0, gsem1, gsem2, gsem3, osem_a, osem_b):
    wid = lax.axis_index("s") * _NC + lax.axis_index("c")
    obase = wid * _OPW

    pltpu.async_copy(tbg_hbm, tbg_v, osem_a)
    pltpu.async_copy(tin_hbm.at[pl.ds(wid * _QPW, _QPW)], tin_v, osem_b)
    pltpu.make_async_copy(tbg_hbm, tbg_v, osem_a).wait()
    pltpu.make_async_copy(tin_hbm.at[pl.ds(wid * _QPW, _QPW)], tin_v,
                          osem_b).wait()

    lane = lax.iota(jnp.int32, _L)

    def q_step(i, _):
        t = tin_v[pl.ds(i * _L, _L)]
        lo = jnp.zeros((_L,), jnp.int32)
        hi = jnp.full((_L,), _T, jnp.int32)

        def bs(_k, carry):
            lo, hi = carry
            mid = (lo + hi) >> 1
            a = plsc.load_gather(tbg_v, [jnp.minimum(mid, _T - 1)])
            below = a < t
            return (jnp.where(below, mid + 1, lo),
                    jnp.where(below, hi, mid))

        lo, hi = lax.fori_loop(0, 9, bs, (lo, hi))
        tidx_v[pl.ds(i * _L, _L)] = jnp.minimum(lo, _T - 1)
        return 0

    lax.fori_loop(0, _QPW // _L, q_step, 0, unroll=2)

    pat_m = lane & (_M - 1)
    pat_r = (lane >> 3) * 2048 + pat_m * 128

    gsems = (gsem0, gsem1, gsem2, gsem3)

    for q in range(_NQ):
        def b_step(i, _, q=q):
            bl = q * _BPQ + i
            tq = plsc.load_gather(tidx_v, [pat_m + bl * _M])
            patb = pat_r + ((tq >> 7) << 10) + (tq & 127)
            row0 = (obase + bl * (_Z * _M)) * _T

            def s_step(k, _):
                idx_v[pl.ds(bl * (_Z * _M) + k * _L, _L)] = (
                    patb + (row0 + k * _L * _T))
                return 0

            lax.fori_loop(0, (_Z * _M) // _L, s_step, 0, unroll=4)
            return 0

        lax.fori_loop(0, _BPQ, b_step, 0)
        pltpu.async_copy(src_hbm.at[idx_v.at[pl.ds(q * _EPQ, _EPQ)]],
                         gat_v.at[pl.ds(q * _EPQ, _EPQ)], gsems[q])

    r0 = wid * (_OPW // _M)
    pads = (pad_a, pad_b)
    osems = (osem_a, osem_b)

    for q in range(_NQ):
        pltpu.make_async_copy(src_hbm.at[idx_v.at[pl.ds(q * _EPQ, _EPQ)]],
                              gat_v.at[pl.ds(q * _EPQ, _EPQ)],
                              gsems[q]).wait()
        pb, osem = pads[q % 2], osems[q % 2]
        if q >= 2:
            pltpu.make_async_copy(
                pb, out_hbm.at[pl.ds(r0 + (q - 2) * _RPQ, _RPQ), :],
                osem).wait()

        def row_step(rl, _, q=q, pb=pb):
            pb[rl, pl.ds(0, _L)] = gat_v[pl.ds(q * _EPQ + rl * _M, _L)]
            return 0

        lax.fori_loop(0, _RPQ, row_step, 0, unroll=4)
        pltpu.async_copy(pb, out_hbm.at[pl.ds(r0 + q * _RPQ, _RPQ), :], osem)

    for q in (_NQ - 2, _NQ - 1):
        pltpu.make_async_copy(pads[q % 2],
                              out_hbm.at[pl.ds(r0 + q * _RPQ, _RPQ), :],
                              osems[q % 2]).wait()


_smoother_sc = functools.partial(
    pl.kernel,
    out_type=jax.ShapeDtypeStruct((_B * _Z, 128), jnp.float32),
    mesh=plsc.VectorSubcoreMesh(core_axis_name="c", subcore_axis_name="s"),
    compiler_params=pltpu.CompilerParams(needs_layout_passes=False),
    scratch_types=[
        pltpu.VMEM((_T,), jnp.float32),
        pltpu.VMEM((_QPW,), jnp.float32),
        pltpu.VMEM((_QPW,), jnp.int32),
        pltpu.VMEM((_OPW,), jnp.int32),
        pltpu.VMEM((_OPW + _L,), jnp.float32),
        pltpu.VMEM((_RPQ, 128), jnp.float32),
        pltpu.VMEM((_RPQ, 128), jnp.float32),
        pltpu.SemaphoreType.DMA,
        pltpu.SemaphoreType.DMA,
        pltpu.SemaphoreType.DMA,
        pltpu.SemaphoreType.DMA,
        pltpu.SemaphoreType.DMA,
        pltpu.SemaphoreType.DMA,
    ],
)(_tec_body)


def kernel(surv_steps, time_bg, time_in, z_smp_n):
    del z_smp_n
    src = (surv_steps.reshape(_B, _Z, _M, _T // 128, 128)
           .transpose(0, 1, 3, 2, 4).reshape(-1))
    out = _smoother_sc(time_in.reshape(-1), time_bg, src)
    out = out.reshape(_B, _Z // 8, 8, 128)
    return out[:, :, :, :_M].reshape(_B, _Z, _M)

# --- scband reference (transcript-rebuilt; emitter-appended) ---
"""Pipeline reference for scband-dummy-smoother-69647189672200 (READ-ONLY COPY).

The authoritative reference and input builder live on the scoring server;
editing this copy changes nothing except your own understanding.
"""

import jax, jax.numpy as jnp
import numpy as np


def setup_inputs(seed: int = 0) -> dict:
    key = jax.random.key(seed)
    k1, k2 = jax.random.split(key, 2)
    B, Z, M, T = 1024, 32, 8, 256
    surv_steps = jax.random.normal(k1, (B, Z, M, T), dtype=jnp.float32)
    time_bg = jnp.arange(T, dtype=jnp.float32)
    # uniform query times spread across the sorted time grid so searchsorted
    # produces non-degenerate bin indices
    time_in = jax.random.uniform(k2, (B, M), dtype=jnp.float32) * (T - 1)
    return {"surv_steps": surv_steps, "time_bg": time_bg, "time_in": time_in, "z_smp_n": Z}


def reference(surv_steps, time_bg, time_in, z_smp_n):
    T = time_bg.shape[0]
    # torch.searchsorted(time_bg, time_in.ravel()).clamp_max_(T - 1)
    time_idx = jnp.minimum(jnp.searchsorted(time_bg, time_in.ravel()), T - 1)
    # time_in is 2D -> reshape indices to time_in's shape
    time_idx = time_idx.reshape(time_in.shape)
    B = time_in.shape[0]
    Z = surv_steps.shape[1]
    surv = jnp.reshape(surv_steps, (B, Z, -1, T))
    idx = time_idx[:, None, :, None]  # (B, 1, M, 1)
    idx = jnp.broadcast_to(idx, (B, Z, surv.shape[2], 1))
    steps = jnp.take_along_axis(surv, idx, axis=-1)[..., 0]
    # steps.shape[-1] == M == 8 != 1, so no squeeze
    return steps + jnp.asarray(z_smp_n - z_smp_n, dtype=steps.dtype)

if __name__ == "__main__":
    import jax
    _d = setup_inputs()
    print(jax.jit(kernel)(*tuple(_d.values())))

</pallas_src>

<mosaic_0001>
#map = affine_map<(d0, d1) -> (0)>
#map1 = affine_map<(d0, d1) -> (0, 0)>
module attributes {stable_mosaic.version = 14 : i64} {
  func.func @_tec_body(%arg0: i32, %arg1: i32, %arg2: memref<8192xf32, #tpu.memory_space<hbm>>, %arg3: memref<256xf32, #tpu.memory_space<hbm>>, %arg4: memref<67108864xf32, #tpu.memory_space<hbm>>, %arg5: memref<32768x128xf32, #tpu.memory_space<hbm>>, %arg6: memref<256xf32, #tpu.memory_space<vmem>>, %arg7: memref<256xf32, #tpu.memory_space<vmem>>, %arg8: memref<256xi32, #tpu.memory_space<vmem>>, %arg9: memref<8192xi32, #tpu.memory_space<vmem>>, %arg10: memref<8208xf32, #tpu.memory_space<vmem>>, %arg11: memref<256x128xf32, #tpu.memory_space<vmem>>, %arg12: memref<256x128xf32, #tpu.memory_space<vmem>>, %arg13: memref<!tpu.dma_semaphore, #tpu.memory_space<semaphore_mem>>, %arg14: memref<!tpu.dma_semaphore, #tpu.memory_space<semaphore_mem>>, %arg15: memref<!tpu.dma_semaphore, #tpu.memory_space<semaphore_mem>>, %arg16: memref<!tpu.dma_semaphore, #tpu.memory_space<semaphore_mem>>, %arg17: memref<!tpu.dma_semaphore, #tpu.memory_space<semaphore_mem>>, %arg18: memref<!tpu.dma_semaphore, #tpu.memory_space<semaphore_mem>>) attributes {dimension_semantics = [#tpu.dimension_semantics<core_parallel>, #tpu.dimension_semantics<subcore_parallel>], iteration_bounds = array<i64: 2, 16>, scalar_prefetch = 0 : i64, scratch_operands = 13 : i64, tpu.core_type = #tpu.core_type<sc_vector_subcore>, window_params = [{transform_indices = #map}, {transform_indices = #map}, {transform_indices = #map}, {transform_indices = #map1}]} {
    %mul3A = arith.constant 2 : i32
    %mul3A_0 = arith.muli %arg1, %mul3A : i32
    %add3A = arith.addi %mul3A_0, %arg0 : i32
    %mul3A_1 = arith.constant 8192 : i32
    %mul3A_2 = arith.muli %add3A, %mul3A_1 : i32
    tpu.enqueue_dma source(%arg3 : memref<256xf32, #tpu.memory_space<hbm>>) target(%arg6 : memref<256xf32, #tpu.memory_space<vmem>>) target_semaphore(%arg17 : memref<!tpu.dma_semaphore, #tpu.memory_space<semaphore_mem>>)
    %mul3A_3 = arith.constant 256 : i32
    %mul3A_4 = arith.muli %add3A, %mul3A_3 : i32
    %dma_start3A = tpu.memref_slice %arg2[%mul3A_4] : memref<8192xf32, #tpu.memory_space<hbm>> -> memref<256xf32, #tpu.memory_space<hbm>>
    %dma_start3A_5 = tpu.memref_slice %arg2[%mul3A_4] : memref<8192xf32, #tpu.memory_space<hbm>> -> memref<256xf32, #tpu.memory_space<hbm>>
    tpu.enqueue_dma source(%dma_start3A_5 : memref<256xf32, #tpu.memory_space<hbm>>) target(%arg7 : memref<256xf32, #tpu.memory_space<vmem>>) target_semaphore(%arg18 : memref<!tpu.dma_semaphore, #tpu.memory_space<semaphore_mem>>)
    tpu.wait_dma2 semaphore(%arg17 : memref<!tpu.dma_semaphore, #tpu.memory_space<semaphore_mem>>) src(%arg3 : memref<256xf32, #tpu.memory_space<hbm>>) dst(%arg6 : memref<256xf32, #tpu.memory_space<vmem>>)
    %mul3A_6 = arith.constant 256 : i32
    %mul3A_7 = arith.muli %add3A, %mul3A_6 : i32
    %dma_wait3A = tpu.memref_slice %arg2[%mul3A_7] : memref<8192xf32, #tpu.memory_space<hbm>> -> memref<256xf32, #tpu.memory_space<hbm>>
    %dma_wait3A_8 = tpu.memref_slice %arg2[%mul3A_7] : memref<8192xf32, #tpu.memory_space<hbm>> -> memref<256xf32, #tpu.memory_space<hbm>>
    tpu.wait_dma2 semaphore(%arg18 : memref<!tpu.dma_semaphore, #tpu.memory_space<semaphore_mem>>) src(%dma_wait3A_8 : memref<256xf32, #tpu.memory_space<hbm>>) dst(%arg7 : memref<256xf32, #tpu.memory_space<vmem>>)
    %iota3A = tpu.iota {dimensions = array<i32: 0>} : vector<16xi32>
    %scan3A = arith.constant 0 : i32
    %scan3A_9 = arith.constant 0 : i32
    %scan3A_10 = arith.constant 16 : i32
    %scan3A_11 = arith.addi %scan3A_9, %scan3A_10 : i32
    %scan3A_12 = arith.constant 2 : i32
    %scan3A_13 = scf.for %scan3A_180 = %scan3A_9 to %scan3A_11 step %scan3A_12 iter_args(%scan3A_181 = %scan3A) -> (i32)  : i32 {
      %mul3A_182 = arith.constant 16 : i32
      %mul3A_183 = arith.muli %scan3A_180, %mul3A_182 : i32
      %get3A = arith.index_cast %mul3A_183 : i32 to index
      %get3A_184 = tpu.vector_load %arg7[%get3A] {strides = array<i32>} : memref<256xf32, #tpu.memory_space<vmem>>, vector<16xf32>,
      %broadcast_in_dim3A = arith.constant 0 : i32
      %broadcast_in_dim3A_185 = vector.broadcast %broadcast_in_dim3A : i32 to vector<16xi32>
      %broadcast_in_dim3A_186 = arith.constant 256 : i32
      %broadcast_in_dim3A_187 = vector.broadcast %broadcast_in_dim3A_186 : i32 to vector<16xi32>
      %scan3A_188 = arith.constant 0 : i32
      %scan3A_189 = arith.constant 9 : i32
      %scan3A_190 = arith.addi %scan3A_188, %scan3A_189 : i32
      %scan3A_191 = arith.constant 1 : i32
      %scan3A_192:2 = scf.for %scan3A_224 = %scan3A_188 to %scan3A_190 step %scan3A_191 iter_args(%scan3A_225 = %broadcast_in_dim3A_185, %scan3A_226 = %broadcast_in_dim3A_187) -> (vector<16xi32>, vector<16xi32>)  : i32 {
        %add3A_227 = arith.addi %scan3A_225, %scan3A_226 : vector<16xi32>
        %shift_right_arithmetic3A_228 = arith.constant 1 : i32
        %shift_right_arithmetic3A_229 = vector.broadcast %shift_right_arithmetic3A_228 : i32 to vector<16xi32>
        %shift_right_arithmetic3A_230 = arith.shrsi %add3A_227, %shift_right_arithmetic3A_229 : vector<16xi32>
        %min3A_231 = arith.constant 255 : i32
        %min3A_232 = vector.broadcast %min3A_231 : i32 to vector<16xi32>
        %min3A_233 = arith.minsi %shift_right_arithmetic3A_230, %min3A_232 : vector<16xi32>
        %gather3A = tpu.vector_load_idx %arg6[%min3A_233] : memref<256xf32, #tpu.memory_space<vmem>>[vector<16xi32>], vector<16xf32>,
        %lt3A = arith.cmpf olt, %gather3A, %get3A_184 : vector<16xf32>
        %add3A_234 = arith.constant 1 : i32
        %add3A_235 = vector.broadcast %add3A_234 : i32 to vector<16xi32>
        %add3A_236 = arith.addi %shift_right_arithmetic3A_230, %add3A_235 : vector<16xi32>
        %select_n3A = arith.select %lt3A, %add3A_236, %scan3A_225 : vector<16xi1>, vector<16xi32>
        %select_n3A_237 = arith.select %lt3A, %scan3A_226, %shift_right_arithmetic3A_230 : vector<16xi1>, vector<16xi32>
        scf.yield %select_n3A, %select_n3A_237 : vector<16xi32>, vector<16xi32>
      }
      %scan3A_193 = arith.constant 9 : i32
      %min3A = arith.constant 255 : i32
      %min3A_194 = vector.broadcast %min3A : i32 to vector<16xi32>
      %min3A_195 = arith.minsi %scan3A_192#0, %min3A_194 : vector<16xi32>
      %mul3A_196 = arith.constant 16 : i32
      %mul3A_197 = arith.muli %scan3A_180, %mul3A_196 : i32
      %swap3A = arith.index_cast %mul3A_197 : i32 to index
      %swap3A_198 = tpu.vector_load %arg8[%swap3A] {strides = array<i32>} : memref<256xi32, #tpu.memory_space<vmem>>, vector<16xi32>,
      tpu.vector_store %arg8[%swap3A], %min3A_195 {strides = array<i32>} : memref<256xi32, #tpu.memory_space<vmem>>, vector<16xi32>,
      %scan3A_199 = arith.constant 0 : i32
      %scan3A_200 = arith.constant 1 : i32
      %scan3A_201 = arith.addi %scan3A_180, %scan3A_200 : i32
      %mul3A_202 = arith.constant 16 : i32
      %mul3A_203 = arith.muli %scan3A_201, %mul3A_202 : i32
      %get3A_204 = arith.index_cast %mul3A_203 : i32 to index
      %get3A_205 = tpu.vector_load %arg7[%get3A_204] {strides = array<i32>} : memref<256xf32, #tpu.memory_space<vmem>>, vector<16xf32>,
      %broadcast_in_dim3A_206 = arith.constant 0 : i32
      %broadcast_in_dim3A_207 = vector.broadcast %broadcast_in_dim3A_206 : i32 to vector<16xi32>
      %broadcast_in_dim3A_208 = arith.constant 256 : i32
      %broadcast_in_dim3A_209 = vector.broadcast %broadcast_in_dim3A_208 : i32 to vector<16xi32>
      %scan3A_210 = arith.constant 0 : i32
      %scan3A_211 = arith.constant 9 : i32
      %scan3A_212 = arith.addi %scan3A_210, %scan3A_211 : i32
      %scan3A_213 = arith.constant 1 : i32
      %scan3A_214:2 = scf.for %scan3A_224 = %scan3A_210 to %scan3A_212 step %scan3A_213 iter_args(%scan3A_225 = %broadcast_in_dim3A_207, %scan3A_226 = %broadcast_in_dim3A_209) -> (vector<16xi32>, vector<16xi32>)  : i32 {
        %add3A_227 = arith.addi %scan3A_225, %scan3A_226 : vector<16xi32>
        %shift_right_arithmetic3A_228 = arith.constant 1 : i32
        %shift_right_arithmetic3A_229 = vector.broadcast %shift_right_arithmetic3A_228 : i32 to vector<16xi32>
        %shift_right_arithmetic3A_230 = arith.shrsi %add3A_227, %shift_right_arithmetic3A_229 : vector<16xi32>
        %min3A_231 = arith.constant 255 : i32
        %min3A_232 = vector.broadcast %min3A_231 : i32 to vector<16xi32>
        %min3A_233 = arith.minsi %shift_right_arithmetic3A_230, %min3A_232 : vector<16xi32>
        %gather3A = tpu.vector_load_idx %arg6[%min3A_233] : memref<256xf32, #tpu.memory_space<vmem>>[vector<16xi32>], vector<16xf32>,
        %lt3A = arith.cmpf olt, %gather3A, %get3A_205 : vector<16xf32>
        %add3A_234 = arith.constant 1 : i32
        %add3A_235 = vector.broadcast %add3A_234 : i32 to vector<16xi32>
        %add3A_236 = arith.addi %shift_right_arithmetic3A_230, %add3A_235 : vector<16xi32>
        %select_n3A = arith.select %lt3A, %add3A_236, %scan3A_225 : vector<16xi1>, vector<16xi32>
        %select_n3A_237 = arith.select %lt3A, %scan3A_226, %shift_right_arithmetic3A_230 : vector<16xi1>, vector<16xi32>
        scf.yield %select_n3A, %select_n3A_237 : vector<16xi32>, vector<16xi32>
      }
      %scan3A_215 = arith.constant 9 : i32
      %min3A_216 = arith.constant 255 : i32
      %min3A_217 = vector.broadcast %min3A_216 : i32 to vector<16xi32>
      %min3A_218 = arith.minsi %scan3A_214#0, %min3A_217 : vector<16xi32>
      %mul3A_219 = arith.constant 16 : i32
      %mul3A_220 = arith.muli %scan3A_201, %mul3A_219 : i32
      %swap3A_221 = arith.index_cast %mul3A_220 : i32 to index
      %swap3A_222 = tpu.vector_load %arg8[%swap3A_221] {strides = array<i32>} : memref<256xi32, #tpu.memory_space<vmem>>, vector<16xi32>,
      tpu.vector_store %arg8[%swap3A_221], %min3A_218 {strides = array<i32>} : memref<256xi32, #tpu.memory_space<vmem>>, vector<16xi32>,
      %scan3A_223 = arith.constant 0 : i32
      scf.yield %scan3A_223 : i32
    }
    %scan3A_14 = arith.constant 16 : i32
    %and3A = arith.constant 7 : i32
    %and3A_15 = vector.broadcast %and3A : i32 to vector<16xi32>
    %and3A_16 = arith.andi %iota3A, %and3A_15 : vector<16xi32>
    %shift_right_arithmetic3A = arith.constant 3 : i32
    %shift_right_arithmetic3A_17 = vector.broadcast %shift_right_arithmetic3A : i32 to vector<16xi32>
    %shift_right_arithmetic3A_18 = arith.shrsi %iota3A, %shift_right_arithmetic3A_17 : vector<16xi32>
    %mul3A_19 = arith.constant 2048 : i32
    %mul3A_20 = vector.broadcast %mul3A_19 : i32 to vector<16xi32>
    %mul3A_21 = arith.muli %shift_right_arithmetic3A_18, %mul3A_20 : vector<16xi32>
    %mul3A_22 = arith.constant 128 : i32
    %mul3A_23 = vector.broadcast %mul3A_22 : i32 to vector<16xi32>
    %mul3A_24 = arith.muli %and3A_16, %mul3A_23 : vector<16xi32>
    %add3A_25 = arith.addi %mul3A_21, %mul3A_24 : vector<16xi32>
    %scan3A_26 = arith.constant 0 : i32
    %scan3A_27 = arith.constant 0 : i32
    %scan3A_28 = arith.constant 8 : i32
    %scan3A_29 = arith.addi %scan3A_27, %scan3A_28 : i32
    %scan3A_30 = arith.constant 1 : i32
    %scan3A_31 = scf.for %scan3A_180 = %scan3A_27 to %scan3A_29 step %scan3A_30 iter_args(%scan3A_181 = %scan3A_26) -> (i32)  : i32 {
      %add3A_182 = arith.constant 0 : i32
      %add3A_183 = arith.addi %add3A_182, %scan3A_180 : i32
      %mul3A_184 = arith.constant 8 : i32
      %mul3A_185 = arith.muli %add3A_183, %mul3A_184 : i32
      %add3A_186 = vector.broadcast %mul3A_185 : i32 to vector<16xi32>
      %add3A_187 = arith.addi %and3A_16, %add3A_186 : vector<16xi32>
      %gather3A = tpu.vector_load_idx %arg8[%add3A_187] : memref<256xi32, #tpu.memory_space<vmem>>[vector<16xi32>], vector<16xi32>,
      %shift_right_arithmetic3A_188 = arith.constant 7 : i32
      %shift_right_arithmetic3A_189 = vector.broadcast %shift_right_arithmetic3A_188 : i32 to vector<16xi32>
      %shift_right_arithmetic3A_190 = arith.shrsi %gather3A, %shift_right_arithmetic3A_189 : vector<16xi32>
      %shift_left3A = arith.constant 10 : i32
      %shift_left3A_191 = vector.broadcast %shift_left3A : i32 to vector<16xi32>
      %shift_left3A_192 = arith.shli %shift_right_arithmetic3A_190, %shift_left3A_191 : vector<16xi32>
      %add3A_193 = arith.addi %add3A_25, %shift_left3A_192 : vector<16xi32>
      %and3A_194 = arith.constant 127 : i32
      %and3A_195 = vector.broadcast %and3A_194 : i32 to vector<16xi32>
      %and3A_196 = arith.andi %gather3A, %and3A_195 : vector<16xi32>
      %add3A_197 = arith.addi %add3A_193, %and3A_196 : vector<16xi32>
      %mul3A_198 = arith.constant 256 : i32
      %mul3A_199 = arith.muli %add3A_183, %mul3A_198 : i32
      %add3A_200 = arith.addi %mul3A_2, %mul3A_199 : i32
      %mul3A_201 = arith.constant 256 : i32
      %mul3A_202 = arith.muli %add3A_200, %mul3A_201 : i32
      %scan3A_203 = arith.constant 0 : i32
      %scan3A_204 = arith.constant 0 : i32
      %scan3A_205 = arith.constant 16 : i32
      %scan3A_206 = arith.addi %scan3A_204, %scan3A_205 : i32
      %scan3A_207 = arith.constant 4 : i32
      %scan3A_208 = scf.for %scan3A_211 = %scan3A_204 to %scan3A_206 step %scan3A_207 iter_args(%scan3A_212 = %scan3A_203) -> (i32)  : i32 {
        %mul3A_213 = arith.constant 16 : i32
        %mul3A_214 = arith.muli %scan3A_211, %mul3A_213 : i32
        %mul3A_215 = arith.constant 256 : i32
        %mul3A_216 = arith.muli %mul3A_214, %mul3A_215 : i32
        %add3A_217 = arith.addi %mul3A_202, %mul3A_216 : i32
        %add3A_218 = vector.broadcast %add3A_217 : i32 to vector<16xi32>
        %add3A_219 = arith.addi %add3A_197, %add3A_218 : vector<16xi32>
        %mul3A_220 = arith.constant 256 : i32
        %mul3A_221 = arith.muli %add3A_183, %mul3A_220 : i32
        %mul3A_222 = arith.constant 16 : i32
        %mul3A_223 = arith.muli %scan3A_211, %mul3A_222 : i32
        %add3A_224 = arith.addi %mul3A_221, %mul3A_223 : i32
        %swap3A = arith.index_cast %add3A_224 : i32 to index
        %swap3A_225 = tpu.vector_load %arg9[%swap3A] {strides = array<i32>} : memref<8192xi32, #tpu.memory_space<vmem>>, vector<16xi32>,
        tpu.vector_store %arg9[%swap3A], %add3A_219 {strides = array<i32>} : memref<8192xi32, #tpu.memory_space<vmem>>, vector<16xi32>,
        %scan3A_226 = arith.constant 0 : i32
        %scan3A_227 = arith.constant 1 : i32
        %scan3A_228 = arith.addi %scan3A_211, %scan3A_227 : i32
        %mul3A_229 = arith.constant 16 : i32
        %mul3A_230 = arith.muli %scan3A_228, %mul3A_229 : i32
        %mul3A_231 = arith.constant 256 : i32
        %mul3A_232 = arith.muli %mul3A_230, %mul3A_231 : i32
        %add3A_233 = arith.addi %mul3A_202, %mul3A_232 : i32
        %add3A_234 = vector.broadcast %add3A_233 : i32 to vector<16xi32>
        %add3A_235 = arith.addi %add3A_197, %add3A_234 : vector<16xi32>
        %mul3A_236 = arith.constant 256 : i32
        %mul3A_237 = arith.muli %add3A_183, %mul3A_236 : i32
        %mul3A_238 = arith.constant 16 : i32
        %mul3A_239 = arith.muli %scan3A_228, %mul3A_238 : i32
        %add3A_240 = arith.addi %mul3A_237, %mul3A_239 : i32
        %swap3A_241 = arith.index_cast %add3A_240 : i32 to index
        %swap3A_242 = tpu.vector_load %arg9[%swap3A_241] {strides = array<i32>} : memref<8192xi32, #tpu.memory_space<vmem>>, vector<16xi32>,
        tpu.vector_store %arg9[%swap3A_241], %add3A_235 {strides = array<i32>} : memref<8192xi32, #tpu.memory_space<vmem>>, vector<16xi32>,
        %scan3A_243 = arith.constant 0 : i32
        %scan3A_244 = arith.constant 2 : i32
        %scan3A_245 = arith.addi %scan3A_211, %scan3A_244 : i32
        %mul3A_246 = arith.constant 16 : i32
        %mul3A_247 = arith.muli %scan3A_245, %mul3A_246 : i32
        %mul3A_248 = arith.constant 256 : i32
        %mul3A_249 = arith.muli %mul3A_247, %mul3A_248 : i32
        %add3A_250 = arith.addi %mul3A_202, %mul3A_249 : i32
        %add3A_251 = vector.broadcast %add3A_250 : i32 to vector<16xi32>
        %add3A_252 = arith.addi %add3A_197, %add3A_251 : vector<16xi32>
        %mul3A_253 = arith.constant 256 : i32
        %mul3A_254 = arith.muli %add3A_183, %mul3A_253 : i32
        %mul3A_255 = arith.constant 16 : i32
        %mul3A_256 = arith.muli %scan3A_245, %mul3A_255 : i32
        %add3A_257 = arith.addi %mul3A_254, %mul3A_256 : i32
        %swap3A_258 = arith.index_cast %add3A_257 : i32 to index
        %swap3A_259 = tpu.vector_load %arg9[%swap3A_258] {strides = array<i32>} : memref<8192xi32, #tpu.memory_space<vmem>>, vector<16xi32>,
        tpu.vector_store %arg9[%swap3A_258], %add3A_252 {strides = array<i32>} : memref<8192xi32, #tpu.memory_space<vmem>>, vector<16xi32>,
        %scan3A_260 = arith.constant 0 : i32
        %scan3A_261 = arith.constant 3 : i32
        %scan3A_262 = arith.addi %scan3A_211, %scan3A_261 : i32
        %mul3A_263 = arith.constant 16 : i32
        %mul3A_264 = arith.muli %scan3A_262, %mul3A_263 : i32
        %mul3A_265 = arith.constant 256 : i32
        %mul3A_266 = arith.muli %mul3A_264, %mul3A_265 : i32
        %add3A_267 = arith.addi %mul3A_202, %mul3A_266 : i32
        %add3A_268 = vector.broadcast %add3A_267 : i32 to vector<16xi32>
        %add3A_269 = arith.addi %add3A_197, %add3A_268 : vector<16xi32>
        %mul3A_270 = arith.constant 256 : i32
        %mul3A_271 = arith.muli %add3A_183, %mul3A_270 : i32
        %mul3A_272 = arith.constant 16 : i32
        %mul3A_273 = arith.muli %scan3A_262, %mul3A_272 : i32
        %add3A_274 = arith.addi %mul3A_271, %mul3A_273 : i32
        %swap3A_275 = arith.index_cast %add3A_274 : i32 to index
        %swap3A_276 = tpu.vector_load %arg9[%swap3A_275] {strides = array<i32>} : memref<8192xi32, #tpu.memory_space<vmem>>, vector<16xi32>,
        tpu.vector_store %arg9[%swap3A_275], %add3A_269 {strides = array<i32>} : memref<8192xi32, #tpu.memory_space<vmem>>, vector<16xi32>,
        %scan3A_277 = arith.constant 0 : i32
        scf.yield %scan3A_277 : i32
      }
      %scan3A_209 = arith.constant 16 : i32
      %scan3A_210 = arith.constant 0 : i32
      scf.yield %scan3A_210 : i32
    }
    %scan3A_32 = arith.constant 8 : i32
    %dma_start3A_33 = arith.constant 0 : i32
    %dma_start3A_34 = tpu.memref_slice %arg10[%dma_start3A_33] : memref<8208xf32, #tpu.memory_space<vmem>> -> memref<2048xf32, #tpu.memory_space<vmem>>
    %dma_start3A_35 = arith.constant 0 : i32
    %dma_start3A_36 = tpu.memref_slice %arg9[%dma_start3A_35] : memref<8192xi32, #tpu.memory_space<vmem>> -> memref<2048xi32, #tpu.memory_space<vmem>>
    %dma_start3A_37 = arith.constant 0 : i32
    %dma_start3A_38 = tpu.memref_slice %arg4[%dma_start3A_37] : memref<67108864xf32, #tpu.memory_space<hbm>> -> memref<67108864xf32, #tpu.memory_space<hbm>>
    tpu.enqueue_indirect_dma source(%dma_start3A_38 : memref<67108864xf32, #tpu.memory_space<hbm>>) target(%dma_start3A_34 : memref<2048xf32, #tpu.memory_space<vmem>>) offsets(%dma_start3A_36 : memref<2048xi32, #tpu.memory_space<vmem>>) semaphore(%arg13 : memref<!tpu.dma_semaphore, #tpu.memory_space<semaphore_mem>>)
    %scan3A_39 = arith.constant 0 : i32
    %scan3A_40 = arith.constant 0 : i32
    %scan3A_41 = arith.constant 8 : i32
    %scan3A_42 = arith.addi %scan3A_40, %scan3A_41 : i32
    %scan3A_43 = arith.constant 1 : i32
    %scan3A_44 = scf.for %scan3A_180 = %scan3A_40 to %scan3A_42 step %scan3A_43 iter_args(%scan3A_181 = %scan3A_39) -> (i32)  : i32 {
      %add3A_182 = arith.constant 8 : i32
      %add3A_183 = arith.addi %add3A_182, %scan3A_180 : i32
      %mul3A_184 = arith.constant 8 : i32
      %mul3A_185 = arith.muli %add3A_183, %mul3A_184 : i32
      %add3A_186 = vector.broadcast %mul3A_185 : i32 to vector<16xi32>
      %add3A_187 = arith.addi %and3A_16, %add3A_186 : vector<16xi32>
      %gather3A = tpu.vector_load_idx %arg8[%add3A_187] : memref<256xi32, #tpu.memory_space<vmem>>[vector<16xi32>], vector<16xi32>,
      %shift_right_arithmetic3A_188 = arith.constant 7 : i32
      %shift_right_arithmetic3A_189 = vector.broadcast %shift_right_arithmetic3A_188 : i32 to vector<16xi32>
      %shift_right_arithmetic3A_190 = arith.shrsi %gather3A, %shift_right_arithmetic3A_189 : vector<16xi32>
      %shift_left3A = arith.constant 10 : i32
      %shift_left3A_191 = vector.broadcast %shift_left3A : i32 to vector<16xi32>
      %shift_left3A_192 = arith.shli %shift_right_arithmetic3A_190, %shift_left3A_191 : vector<16xi32>
      %add3A_193 = arith.addi %add3A_25, %shift_left3A_192 : vector<16xi32>
      %and3A_194 = arith.constant 127 : i32
      %and3A_195 = vector.broadcast %and3A_194 : i32 to vector<16xi32>
      %and3A_196 = arith.andi %gather3A, %and3A_195 : vector<16xi32>
      %add3A_197 = arith.addi %add3A_193, %and3A_196 : vector<16xi32>
      %mul3A_198 = arith.constant 256 : i32
      %mul3A_199 = arith.muli %add3A_183, %mul3A_198 : i32
      %add3A_200 = arith.addi %mul3A_2, %mul3A_199 : i32
      %mul3A_201 = arith.constant 256 : i32
      %mul3A_202 = arith.muli %add3A_200, %mul3A_201 : i32
      %scan3A_203 = arith.constant 0 : i32
      %scan3A_204 = arith.constant 0 : i32
      %scan3A_205 = arith.constant 16 : i32
      %scan3A_206 = arith.addi %scan3A_204, %scan3A_205 : i32
      %scan3A_207 = arith.constant 4 : i32
      %scan3A_208 = scf.for %scan3A_211 = %scan3A_204 to %scan3A_206 step %scan3A_207 iter_args(%scan3A_212 = %scan3A_203) -> (i32)  : i32 {
        %mul3A_213 = arith.constant 16 : i32
        %mul3A_214 = arith.muli %scan3A_211, %mul3A_213 : i32
        %mul3A_215 = arith.constant 256 : i32
        %mul3A_216 = arith.muli %mul3A_214, %mul3A_215 : i32
        %add3A_217 = arith.addi %mul3A_202, %mul3A_216 : i32
        %add3A_218 = vector.broadcast %add3A_217 : i32 to vector<16xi32>
        %add3A_219 = arith.addi %add3A_197, %add3A_218 : vector<16xi32>
        %mul3A_220 = arith.constant 256 : i32
        %mul3A_221 = arith.muli %add3A_183, %mul3A_220 : i32
        %mul3A_222 = arith.constant 16 : i32
        %mul3A_223 = arith.muli %scan3A_211, %mul3A_222 : i32
        %add3A_224 = arith.addi %mul3A_221, %mul3A_223 : i32
        %swap3A = arith.index_cast %add3A_224 : i32 to index
        %swap3A_225 = tpu.vector_load %arg9[%swap3A] {strides = array<i32>} : memref<8192xi32, #tpu.memory_space<vmem>>, vector<16xi32>,
        tpu.vector_store %arg9[%swap3A], %add3A_219 {strides = array<i32>} : memref<8192xi32, #tpu.memory_space<vmem>>, vector<16xi32>,
        %scan3A_226 = arith.constant 0 : i32
        %scan3A_227 = arith.constant 1 : i32
        %scan3A_228 = arith.addi %scan3A_211, %scan3A_227 : i32
        %mul3A_229 = arith.constant 16 : i32
        %mul3A_230 = arith.muli %scan3A_228, %mul3A_229 : i32
        %mul3A_231 = arith.constant 256 : i32
        %mul3A_232 = arith.muli %mul3A_230, %mul3A_231 : i32
        %add3A_233 = arith.addi %mul3A_202, %mul3A_232 : i32
        %add3A_234 = vector.broadcast %add3A_233 : i32 to vector<16xi32>
        %add3A_235 = arith.addi %add3A_197, %add3A_234 : vector<16xi32>
        %mul3A_236 = arith.constant 256 : i32
        %mul3A_237 = arith.muli %add3A_183, %mul3A_236 : i32
        %mul3A_238 = arith.constant 16 : i32
        %mul3A_239 = arith.muli %scan3A_228, %mul3A_238 : i32
        %add3A_240 = arith.addi %mul3A_237, %mul3A_239 : i32
        %swap3A_241 = arith.index_cast %add3A_240 : i32 to index
        %swap3A_242 = tpu.vector_load %arg9[%swap3A_241] {strides = array<i32>} : memref<8192xi32, #tpu.memory_space<vmem>>, vector<16xi32>,
        tpu.vector_store %arg9[%swap3A_241], %add3A_235 {strides = array<i32>} : memref<8192xi32, #tpu.memory_space<vmem>>, vector<16xi32>,
        %scan3A_243 = arith.constant 0 : i32
        %scan3A_244 = arith.constant 2 : i32
        %scan3A_245 = arith.addi %scan3A_211, %scan3A_244 : i32
        %mul3A_246 = arith.constant 16 : i32
        %mul3A_247 = arith.muli %scan3A_245, %mul3A_246 : i32
        %mul3A_248 = arith.constant 256 : i32
        %mul3A_249 = arith.muli %mul3A_247, %mul3A_248 : i32
        %add3A_250 = arith.addi %mul3A_202, %mul3A_249 : i32
        %add3A_251 = vector.broadcast %add3A_250 : i32 to vector<16xi32>
        %add3A_252 = arith.addi %add3A_197, %add3A_251 : vector<16xi32>
        %mul3A_253 = arith.constant 256 : i32
        %mul3A_254 = arith.muli %add3A_183, %mul3A_253 : i32
        %mul3A_255 = arith.constant 16 : i32
        %mul3A_256 = arith.muli %scan3A_245, %mul3A_255 : i32
        %add3A_257 = arith.addi %mul3A_254, %mul3A_256 : i32
        %swap3A_258 = arith.index_cast %add3A_257 : i32 to index
        %swap3A_259 = tpu.vector_load %arg9[%swap3A_258] {strides = array<i32>} : memref<8192xi32, #tpu.memory_space<vmem>>, vector<16xi32>,
        tpu.vector_store %arg9[%swap3A_258], %add3A_252 {strides = array<i32>} : memref<8192xi32, #tpu.memory_space<vmem>>, vector<16xi32>,
        %scan3A_260 = arith.constant 0 : i32
        %scan3A_261 = arith.constant 3 : i32
        %scan3A_262 = arith.addi %scan3A_211, %scan3A_261 : i32
        %mul3A_263 = arith.constant 16 : i32
        %mul3A_264 = arith.muli %scan3A_262, %mul3A_263 : i32
        %mul3A_265 = arith.constant 256 : i32
        %mul3A_266 = arith.muli %mul3A_264, %mul3A_265 : i32
        %add3A_267 = arith.addi %mul3A_202, %mul3A_266 : i32
        %add3A_268 = vector.broadcast %add3A_267 : i32 to vector<16xi32>
        %add3A_269 = arith.addi %add3A_197, %add3A_268 : vector<16xi32>
        %mul3A_270 = arith.constant 256 : i32
        %mul3A_271 = arith.muli %add3A_183, %mul3A_270 : i32
        %mul3A_272 = arith.constant 16 : i32
        %mul3A_273 = arith.muli %scan3A_262, %mul3A_272 : i32
        %add3A_274 = arith.addi %mul3A_271, %mul3A_273 : i32
        %swap3A_275 = arith.index_cast %add3A_274 : i32 to index
        %swap3A_276 = tpu.vector_load %arg9[%swap3A_275] {strides = array<i32>} : memref<8192xi32, #tpu.memory_space<vmem>>, vector<16xi32>,
        tpu.vector_store %arg9[%swap3A_275], %add3A_269 {strides = array<i32>} : memref<8192xi32, #tpu.memory_space<vmem>>, vector<16xi32>,
        %scan3A_277 = arith.constant 0 : i32
        scf.yield %scan3A_277 : i32
      }
      %scan3A_209 = arith.constant 16 : i32
      %scan3A_210 = arith.constant 0 : i32
      scf.yield %scan3A_210 : i32
    }
    %scan3A_45 = arith.constant 8 : i32
    %dma_start3A_46 = arith.constant 2048 : i32
    %dma_start3A_47 = tpu.memref_slice %arg10[%dma_start3A_46] : memref<8208xf32, #tpu.memory_space<vmem>> -> memref<2048xf32, #tpu.memory_space<vmem>>
    %dma_start3A_48 = arith.constant 2048 : i32
    %dma_start3A_49 = tpu.memref_slice %arg9[%dma_start3A_48] : memref<8192xi32, #tpu.memory_space<vmem>> -> memref<2048xi32, #tpu.memory_space<vmem>>
    %dma_start3A_50 = arith.constant 0 : i32
    %dma_start3A_51 = tpu.memref_slice %arg4[%dma_start3A_50] : memref<67108864xf32, #tpu.memory_space<hbm>> -> memref<67108864xf32, #tpu.memory_space<hbm>>
    tpu.enqueue_indirect_dma source(%dma_start3A_51 : memref<67108864xf32, #tpu.memory_space<hbm>>) target(%dma_start3A_47 : memref<2048xf32, #tpu.memory_space<vmem>>) offsets(%dma_start3A_49 : memref<2048xi32, #tpu.memory_space<vmem>>) semaphore(%arg14 : memref<!tpu.dma_semaphore, #tpu.memory_space<semaphore_mem>>)
    %scan3A_52 = arith.constant 0 : i32
    %scan3A_53 = arith.constant 0 : i32
    %scan3A_54 = arith.constant 8 : i32
    %scan3A_55 = arith.addi %scan3A_53, %scan3A_54 : i32
    %scan3A_56 = arith.constant 1 : i32
    %scan3A_57 = scf.for %scan3A_180 = %scan3A_53 to %scan3A_55 step %scan3A_56 iter_args(%scan3A_181 = %scan3A_52) -> (i32)  : i32 {
      %add3A_182 = arith.constant 16 : i32
      %add3A_183 = arith.addi %add3A_182, %scan3A_180 : i32
      %mul3A_184 = arith.constant 8 : i32
      %mul3A_185 = arith.muli %add3A_183, %mul3A_184 : i32
      %add3A_186 = vector.broadcast %mul3A_185 : i32 to vector<16xi32>
      %add3A_187 = arith.addi %and3A_16, %add3A_186 : vector<16xi32>
      %gather3A = tpu.vector_load_idx %arg8[%add3A_187] : memref<256xi32, #tpu.memory_space<vmem>>[vector<16xi32>], vector<16xi32>,
      %shift_right_arithmetic3A_188 = arith.constant 7 : i32
      %shift_right_arithmetic3A_189 = vector.broadcast %shift_right_arithmetic3A_188 : i32 to vector<16xi32>
      %shift_right_arithmetic3A_190 = arith.shrsi %gather3A, %shift_right_arithmetic3A_189 : vector<16xi32>
      %shift_left3A = arith.constant 10 : i32
      %shift_left3A_191 = vector.broadcast %shift_left3A : i32 to vector<16xi32>
      %shift_left3A_192 = arith.shli %shift_right_arithmetic3A_190, %shift_left3A_191 : vector<16xi32>
      %add3A_193 = arith.addi %add3A_25, %shift_left3A_192 : vector<16xi32>
      %and3A_194 = arith.constant 127 : i32
      %and3A_195 = vector.broadcast %and3A_194 : i32 to vector<16xi32>
      %and3A_196 = arith.andi %gather3A, %and3A_195 : vector<16xi32>
      %add3A_197 = arith.addi %add3A_193, %and3A_196 : vector<16xi32>
      %mul3A_198 = arith.constant 256 : i32
      %mul3A_199 = arith.muli %add3A_183, %mul3A_198 : i32
      %add3A_200 = arith.addi %mul3A_2, %mul3A_199 : i32
      %mul3A_201 = arith.constant 256 : i32
      %mul3A_202 = arith.muli %add3A_200, %mul3A_201 : i32
      %scan3A_203 = arith.constant 0 : i32
      %scan3A_204 = arith.constant 0 : i32
      %scan3A_205 = arith.constant 16 : i32
      %scan3A_206 = arith.addi %scan3A_204, %scan3A_205 : i32
      %scan3A_207 = arith.constant 4 : i32
      %scan3A_208 = scf.for %scan3A_211 = %scan3A_204 to %scan3A_206 step %scan3A_207 iter_args(%scan3A_212 = %scan3A_203) -> (i32)  : i32 {
        %mul3A_213 = arith.constant 16 : i32
        %mul3A_214 = arith.muli %scan3A_211, %mul3A_213 : i32
        %mul3A_215 = arith.constant 256 : i32
        %mul3A_216 = arith.muli %mul3A_214, %mul3A_215 : i32
        %add3A_217 = arith.addi %mul3A_202, %mul3A_216 : i32
        %add3A_218 = vector.broadcast %add3A_217 : i32 to vector<16xi32>
        %add3A_219 = arith.addi %add3A_197, %add3A_218 : vector<16xi32>
        %mul3A_220 = arith.constant 256 : i32
        %mul3A_221 = arith.muli %add3A_183, %mul3A_220 : i32
        %mul3A_222 = arith.constant 16 : i32
        %mul3A_223 = arith.muli %scan3A_211, %mul3A_222 : i32
        %add3A_224 = arith.addi %mul3A_221, %mul3A_223 : i32
        %swap3A = arith.index_cast %add3A_224 : i32 to index
        %swap3A_225 = tpu.vector_load %arg9[%swap3A] {strides = array<i32>} : memref<8192xi32, #tpu.memory_space<vmem>>, vector<16xi32>,
        tpu.vector_store %arg9[%swap3A], %add3A_219 {strides = array<i32>} : memref<8192xi32, #tpu.memory_space<vmem>>, vector<16xi32>,
        %scan3A_226 = arith.constant 0 : i32
        %scan3A_227 = arith.constant 1 : i32
        %scan3A_228 = arith.addi %scan3A_211, %scan3A_227 : i32
        %mul3A_229 = arith.constant 16 : i32
        %mul3A_230 = arith.muli %scan3A_228, %mul3A_229 : i32
        %mul3A_231 = arith.constant 256 : i32
        %mul3A_232 = arith.muli %mul3A_230, %mul3A_231 : i32
        %add3A_233 = arith.addi %mul3A_202, %mul3A_232 : i32
        %add3A_234 = vector.broadcast %add3A_233 : i32 to vector<16xi32>
        %add3A_235 = arith.addi %add3A_197, %add3A_234 : vector<16xi32>
        %mul3A_236 = arith.constant 256 : i32
        %mul3A_237 = arith.muli %add3A_183, %mul3A_236 : i32
        %mul3A_238 = arith.constant 16 : i32
        %mul3A_239 = arith.muli %scan3A_228, %mul3A_238 : i32
        %add3A_240 = arith.addi %mul3A_237, %mul3A_239 : i32
        %swap3A_241 = arith.index_cast %add3A_240 : i32 to index
        %swap3A_242 = tpu.vector_load %arg9[%swap3A_241] {strides = array<i32>} : memref<8192xi32, #tpu.memory_space<vmem>>, vector<16xi32>,
        tpu.vector_store %arg9[%swap3A_241], %add3A_235 {strides = array<i32>} : memref<8192xi32, #tpu.memory_space<vmem>>, vector<16xi32>,
        %scan3A_243 = arith.constant 0 : i32
        %scan3A_244 = arith.constant 2 : i32
        %scan3A_245 = arith.addi %scan3A_211, %scan3A_244 : i32
        %mul3A_246 = arith.constant 16 : i32
        %mul3A_247 = arith.muli %scan3A_245, %mul3A_246 : i32
        %mul3A_248 = arith.constant 256 : i32
        %mul3A_249 = arith.muli %mul3A_247, %mul3A_248 : i32
        %add3A_250 = arith.addi %mul3A_202, %mul3A_249 : i32
        %add3A_251 = vector.broadcast %add3A_250 : i32 to vector<16xi32>
        %add3A_252 = arith.addi %add3A_197, %add3A_251 : vector<16xi32>
        %mul3A_253 = arith.constant 256 : i32
        %mul3A_254 = arith.muli %add3A_183, %mul3A_253 : i32
        %mul3A_255 = arith.constant 16 : i32
        %mul3A_256 = arith.muli %scan3A_245, %mul3A_255 : i32
        %add3A_257 = arith.addi %mul3A_254, %mul3A_256 : i32
        %swap3A_258 = arith.index_cast %add3A_257 : i32 to index
        %swap3A_259 = tpu.vector_load %arg9[%swap3A_258] {strides = array<i32>} : memref<8192xi32, #tpu.memory_space<vmem>>, vector<16xi32>,
        tpu.vector_store %arg9[%swap3A_258], %add3A_252 {strides = array<i32>} : memref<8192xi32, #tpu.memory_space<vmem>>, vector<16xi32>,
        %scan3A_260 = arith.constant 0 : i32
        %scan3A_261 = arith.constant 3 : i32
        %scan3A_262 = arith.addi %scan3A_211, %scan3A_261 : i32
        %mul3A_263 = arith.constant 16 : i32
        %mul3A_264 = arith.muli %scan3A_262, %mul3A_263 : i32
        %mul3A_265 = arith.constant 256 : i32
        %mul3A_266 = arith.muli %mul3A_264, %mul3A_265 : i32
        %add3A_267 = arith.addi %mul3A_202, %mul3A_266 : i32
        %add3A_268 = vector.broadcast %add3A_267 : i32 to vector<16xi32>
        %add3A_269 = arith.addi %add3A_197, %add3A_268 : vector<16xi32>
        %mul3A_270 = arith.constant 256 : i32
        %mul3A_271 = arith.muli %add3A_183, %mul3A_270 : i32
        %mul3A_272 = arith.constant 16 : i32
        %mul3A_273 = arith.muli %scan3A_262, %mul3A_272 : i32
        %add3A_274 = arith.addi %mul3A_271, %mul3A_273 : i32
        %swap3A_275 = arith.index_cast %add3A_274 : i32 to index
        %swap3A_276 = tpu.vector_load %arg9[%swap3A_275] {strides = array<i32>} : memref<8192xi32, #tpu.memory_space<vmem>>, vector<16xi32>,
        tpu.vector_store %arg9[%swap3A_275], %add3A_269 {strides = array<i32>} : memref<8192xi32, #tpu.memory_space<vmem>>, vector<16xi32>,
        %scan3A_277 = arith.constant 0 : i32
        scf.yield %scan3A_277 : i32
      }
      %scan3A_209 = arith.constant 16 : i32
      %scan3A_210 = arith.constant 0 : i32
      scf.yield %scan3A_210 : i32
    }
    %scan3A_58 = arith.constant 8 : i32
    %dma_start3A_59 = arith.constant 4096 : i32
    %dma_start3A_60 = tpu.memref_slice %arg10[%dma_start3A_59] : memref<8208xf32, #tpu.memory_space<vmem>> -> memref<2048xf32, #tpu.memory_space<vmem>>
    %dma_start3A_61 = arith.constant 4096 : i32
    %dma_start3A_62 = tpu.memref_slice %arg9[%dma_start3A_61] : memref<8192xi32, #tpu.memory_space<vmem>> -> memref<2048xi32, #tpu.memory_space<vmem>>
    %dma_start3A_63 = arith.constant 0 : i32
    %dma_start3A_64 = tpu.memref_slice %arg4[%dma_start3A_63] : memref<67108864xf32, #tpu.memory_space<hbm>> -> memref<67108864xf32, #tpu.memory_space<hbm>>
    tpu.enqueue_indirect_dma source(%dma_start3A_64 : memref<67108864xf32, #tpu.memory_space<hbm>>) target(%dma_start3A_60 : memref<2048xf32, #tpu.memory_space<vmem>>) offsets(%dma_start3A_62 : memref<2048xi32, #tpu.memory_space<vmem>>) semaphore(%arg15 : memref<!tpu.dma_semaphore, #tpu.memory_space<semaphore_mem>>)
    %scan3A_65 = arith.constant 0 : i32
    %scan3A_66 = arith.constant 0 : i32
    %scan3A_67 = arith.constant 8 : i32
    %scan3A_68 = arith.addi %scan3A_66, %scan3A_67 : i32
    %scan3A_69 = arith.constant 1 : i32
    %scan3A_70 = scf.for %scan3A_180 = %scan3A_66 to %scan3A_68 step %scan3A_69 iter_args(%scan3A_181 = %scan3A_65) -> (i32)  : i32 {
      %add3A_182 = arith.constant 24 : i32
      %add3A_183 = arith.addi %add3A_182, %scan3A_180 : i32
      %mul3A_184 = arith.constant 8 : i32
      %mul3A_185 = arith.muli %add3A_183, %mul3A_184 : i32
      %add3A_186 = vector.broadcast %mul3A_185 : i32 to vector<16xi32>
      %add3A_187 = arith.addi %and3A_16, %add3A_186 : vector<16xi32>
      %gather3A = tpu.vector_load_idx %arg8[%add3A_187] : memref<256xi32, #tpu.memory_space<vmem>>[vector<16xi32>], vector<16xi32>,
      %shift_right_arithmetic3A_188 = arith.constant 7 : i32
      %shift_right_arithmetic3A_189 = vector.broadcast %shift_right_arithmetic3A_188 : i32 to vector<16xi32>
      %shift_right_arithmetic3A_190 = arith.shrsi %gather3A, %shift_right_arithmetic3A_189 : vector<16xi32>
      %shift_left3A = arith.constant 10 : i32
      %shift_left3A_191 = vector.broadcast %shift_left3A : i32 to vector<16xi32>
      %shift_left3A_192 = arith.shli %shift_right_arithmetic3A_190, %shift_left3A_191 : vector<16xi32>
      %add3A_193 = arith.addi %add3A_25, %shift_left3A_192 : vector<16xi32>
      %and3A_194 = arith.constant 127 : i32
      %and3A_195 = vector.broadcast %and3A_194 : i32 to vector<16xi32>
      %and3A_196 = arith.andi %gather3A, %and3A_195 : vector<16xi32>
      %add3A_197 = arith.addi %add3A_193, %and3A_196 : vector<16xi32>
      %mul3A_198 = arith.constant 256 : i32
      %mul3A_199 = arith.muli %add3A_183, %mul3A_198 : i32
      %add3A_200 = arith.addi %mul3A_2, %mul3A_199 : i32
      %mul3A_201 = arith.constant 256 : i32
      %mul3A_202 = arith.muli %add3A_200, %mul3A_201 : i32
      %scan3A_203 = arith.constant 0 : i32
      %scan3A_204 = arith.constant 0 : i32
      %scan3A_205 = arith.constant 16 : i32
      %scan3A_206 = arith.addi %scan3A_204, %scan3A_205 : i32
      %scan3A_207 = arith.constant 4 : i32
      %scan3A_208 = scf.for %scan3A_211 = %scan3A_204 to %scan3A_206 step %scan3A_207 iter_args(%scan3A_212 = %scan3A_203) -> (i32)  : i32 {
        %mul3A_213 = arith.constant 16 : i32
        %mul3A_214 = arith.muli %scan3A_211, %mul3A_213 : i32
        %mul3A_215 = arith.constant 256 : i32
        %mul3A_216 = arith.muli %mul3A_214, %mul3A_215 : i32
        %add3A_217 = arith.addi %mul3A_202, %mul3A_216 : i32
        %add3A_218 = vector.broadcast %add3A_217 : i32 to vector<16xi32>
        %add3A_219 = arith.addi %add3A_197, %add3A_218 : vector<16xi32>
        %mul3A_220 = arith.constant 256 : i32
        %mul3A_221 = arith.muli %add3A_183, %mul3A_220 : i32
        %mul3A_222 = arith.constant 16 : i32
        %mul3A_223 = arith.muli %scan3A_211, %mul3A_222 : i32
        %add3A_224 = arith.addi %mul3A_221, %mul3A_223 : i32
        %swap3A = arith.index_cast %add3A_224 : i32 to index
        %swap3A_225 = tpu.vector_load %arg9[%swap3A] {strides = array<i32>} : memref<8192xi32, #tpu.memory_space<vmem>>, vector<16xi32>,
        tpu.vector_store %arg9[%swap3A], %add3A_219 {strides = array<i32>} : memref<8192xi32, #tpu.memory_space<vmem>>, vector<16xi32>,
        %scan3A_226 = arith.constant 0 : i32
        %scan3A_227 = arith.constant 1 : i32
        %scan3A_228 = arith.addi %scan3A_211, %scan3A_227 : i32
        %mul3A_229 = arith.constant 16 : i32
        %mul3A_230 = arith.muli %scan3A_228, %mul3A_229 : i32
        %mul3A_231 = arith.constant 256 : i32
        %mul3A_232 = arith.muli %mul3A_230, %mul3A_231 : i32
        %add3A_233 = arith.addi %mul3A_202, %mul3A_232 : i32
        %add3A_234 = vector.broadcast %add3A_233 : i32 to vector<16xi32>
        %add3A_235 = arith.addi %add3A_197, %add3A_234 : vector<16xi32>
        %mul3A_236 = arith.constant 256 : i32
        %mul3A_237 = arith.muli %add3A_183, %mul3A_236 : i32
        %mul3A_238 = arith.constant 16 : i32
        %mul3A_239 = arith.muli %scan3A_228, %mul3A_238 : i32
        %add3A_240 = arith.addi %mul3A_237, %mul3A_239 : i32
        %swap3A_241 = arith.index_cast %add3A_240 : i32 to index
        %swap3A_242 = tpu.vector_load %arg9[%swap3A_241] {strides = array<i32>} : memref<8192xi32, #tpu.memory_space<vmem>>, vector<16xi32>,
        tpu.vector_store %arg9[%swap3A_241], %add3A_235 {strides = array<i32>} : memref<8192xi32, #tpu.memory_space<vmem>>, vector<16xi32>,
        %scan3A_243 = arith.constant 0 : i32
        %scan3A_244 = arith.constant 2 : i32
        %scan3A_245 = arith.addi %scan3A_211, %scan3A_244 : i32
        %mul3A_246 = arith.constant 16 : i32
        %mul3A_247 = arith.muli %scan3A_245, %mul3A_246 : i32
        %mul3A_248 = arith.constant 256 : i32
        %mul3A_249 = arith.muli %mul3A_247, %mul3A_248 : i32
        %add3A_250 = arith.addi %mul3A_202, %mul3A_249 : i32
        %add3A_251 = vector.broadcast %add3A_250 : i32 to vector<16xi32>
        %add3A_252 = arith.addi %add3A_197, %add3A_251 : vector<16xi32>
        %mul3A_253 = arith.constant 256 : i32
        %mul3A_254 = arith.muli %add3A_183, %mul3A_253 : i32
        %mul3A_255 = arith.constant 16 : i32
        %mul3A_256 = arith.muli %scan3A_245, %mul3A_255 : i32
        %add3A_257 = arith.addi %mul3A_254, %mul3A_256 : i32
        %swap3A_258 = arith.index_cast %add3A_257 : i32 to index
        %swap3A_259 = tpu.vector_load %arg9[%swap3A_258] {strides = array<i32>} : memref<8192xi32, #tpu.memory_space<vmem>>, vector<16xi32>,
        tpu.vector_store %arg9[%swap3A_258], %add3A_252 {strides = array<i32>} : memref<8192xi32, #tpu.memory_space<vmem>>, vector<16xi32>,
        %scan3A_260 = arith.constant 0 : i32
        %scan3A_261 = arith.constant 3 : i32
        %scan3A_262 = arith.addi %scan3A_211, %scan3A_261 : i32
        %mul3A_263 = arith.constant 16 : i32
        %mul3A_264 = arith.muli %scan3A_262, %mul3A_263 : i32
        %mul3A_265 = arith.constant 256 : i32
        %mul3A_266 = arith.muli %mul3A_264, %mul3A_265 : i32
        %add3A_267 = arith.addi %mul3A_202, %mul3A_266 : i32
        %add3A_268 = vector.broadcast %add3A_267 : i32 to vector<16xi32>
        %add3A_269 = arith.addi %add3A_197, %add3A_268 : vector<16xi32>
        %mul3A_270 = arith.constant 256 : i32
        %mul3A_271 = arith.muli %add3A_183, %mul3A_270 : i32
        %mul3A_272 = arith.constant 16 : i32
        %mul3A_273 = arith.muli %scan3A_262, %mul3A_272 : i32
        %add3A_274 = arith.addi %mul3A_271, %mul3A_273 : i32
        %swap3A_275 = arith.index_cast %add3A_274 : i32 to index
        %swap3A_276 = tpu.vector_load %arg9[%swap3A_275] {strides = array<i32>} : memref<8192xi32, #tpu.memory_space<vmem>>, vector<16xi32>,
        tpu.vector_store %arg9[%swap3A_275], %add3A_269 {strides = array<i32>} : memref<8192xi32, #tpu.memory_space<vmem>>, vector<16xi32>,
        %scan3A_277 = arith.constant 0 : i32
        scf.yield %scan3A_277 : i32
      }
      %scan3A_209 = arith.constant 16 : i32
      %scan3A_210 = arith.constant 0 : i32
      scf.yield %scan3A_210 : i32
    }
    %scan3A_71 = arith.constant 8 : i32
    %dma_start3A_72 = arith.constant 6144 : i32
    %dma_start3A_73 = tpu.memref_slice %arg10[%dma_start3A_72] : memref<8208xf32, #tpu.memory_space<vmem>> -> memref<2048xf32, #tpu.memory_space<vmem>>
    %dma_start3A_74 = arith.constant 6144 : i32
    %dma_start3A_75 = tpu.memref_slice %arg9[%dma_start3A_74] : memref<8192xi32, #tpu.memory_space<vmem>> -> memref<2048xi32, #tpu.memory_space<vmem>>
    %dma_start3A_76 = arith.constant 0 : i32
    %dma_start3A_77 = tpu.memref_slice %arg4[%dma_start3A_76] : memref<67108864xf32, #tpu.memory_space<hbm>> -> memref<67108864xf32, #tpu.memory_space<hbm>>
    tpu.enqueue_indirect_dma source(%dma_start3A_77 : memref<67108864xf32, #tpu.memory_space<hbm>>) target(%dma_start3A_73 : memref<2048xf32, #tpu.memory_space<vmem>>) offsets(%dma_start3A_75 : memref<2048xi32, #tpu.memory_space<vmem>>) semaphore(%arg16 : memref<!tpu.dma_semaphore, #tpu.memory_space<semaphore_mem>>)
    %mul3A_78 = arith.constant 1024 : i32
    %mul3A_79 = arith.muli %add3A, %mul3A_78 : i32
    %dma_wait3A_80 = arith.constant 0 : i32
    %dma_wait3A_81 = tpu.memref_slice %arg10[%dma_wait3A_80] : memref<8208xf32, #tpu.memory_space<vmem>> -> memref<2048xf32, #tpu.memory_space<vmem>>
    %dma_wait3A_82 = arith.constant 0 : i32
    %dma_wait3A_83 = tpu.memref_slice %arg9[%dma_wait3A_82] : memref<8192xi32, #tpu.memory_space<vmem>> -> memref<2048xi32, #tpu.memory_space<vmem>>
    %dma_wait3A_84 = arith.constant 0 : i32
    %dma_wait3A_85 = tpu.memref_slice %arg4[%dma_wait3A_84] : memref<67108864xf32, #tpu.memory_space<hbm>> -> memref<67108864xf32, #tpu.memory_space<hbm>>
    tpu.wait_indirect_dma semaphore(%arg13 : memref<!tpu.dma_semaphore, #tpu.memory_space<semaphore_mem>>) src(%dma_wait3A_85 : memref<67108864xf32, #tpu.memory_space<hbm>>) dst(%dma_wait3A_81 : memref<2048xf32, #tpu.memory_space<vmem>>)
    %scan3A_86 = arith.constant 0 : i32
    %scan3A_87 = arith.constant 0 : i32
    %scan3A_88 = arith.constant 256 : i32
    %scan3A_89 = arith.addi %scan3A_87, %scan3A_88 : i32
    %scan3A_90 = arith.constant 4 : i32
    %scan3A_91 = scf.for %scan3A_180 = %scan3A_87 to %scan3A_89 step %scan3A_90 iter_args(%scan3A_181 = %scan3A_86) -> (i32)  : i32 {
      %mul3A_182 = arith.constant 8 : i32
      %mul3A_183 = arith.muli %scan3A_180, %mul3A_182 : i32
      %add3A_184 = arith.constant 0 : i32
      %add3A_185 = arith.addi %add3A_184, %mul3A_183 : i32
      %get3A = arith.index_cast %add3A_185 : i32 to index
      %get3A_186 = tpu.vector_load %arg10[%get3A] {strides = array<i32>} : memref<8208xf32, #tpu.memory_space<vmem>>, vector<16xf32>,
      %swap3A = arith.index_cast %scan3A_180 : i32 to index
      %swap3A_187 = arith.constant 0 : index
      %swap3A_188 = tpu.vector_load %arg11[%swap3A, %swap3A_187] {strides = array<i32>} : memref<256x128xf32, #tpu.memory_space<vmem>>, vector<16xf32>,
      tpu.vector_store %arg11[%swap3A, %swap3A_187], %get3A_186 {strides = array<i32>} : memref<256x128xf32, #tpu.memory_space<vmem>>, vector<16xf32>,
      %scan3A_189 = arith.constant 0 : i32
      %scan3A_190 = arith.constant 1 : i32
      %scan3A_191 = arith.addi %scan3A_180, %scan3A_190 : i32
      %mul3A_192 = arith.constant 8 : i32
      %mul3A_193 = arith.muli %scan3A_191, %mul3A_192 : i32
      %add3A_194 = arith.constant 0 : i32
      %add3A_195 = arith.addi %add3A_194, %mul3A_193 : i32
      %get3A_196 = arith.index_cast %add3A_195 : i32 to index
      %get3A_197 = tpu.vector_load %arg10[%get3A_196] {strides = array<i32>} : memref<8208xf32, #tpu.memory_space<vmem>>, vector<16xf32>,
      %swap3A_198 = arith.index_cast %scan3A_191 : i32 to index
      %swap3A_199 = arith.constant 0 : index
      %swap3A_200 = tpu.vector_load %arg11[%swap3A_198, %swap3A_199] {strides = array<i32>} : memref<256x128xf32, #tpu.memory_space<vmem>>, vector<16xf32>,
      tpu.vector_store %arg11[%swap3A_198, %swap3A_199], %get3A_197 {strides = array<i32>} : memref<256x128xf32, #tpu.memory_space<vmem>>, vector<16xf32>,
      %scan3A_201 = arith.constant 0 : i32
      %scan3A_202 = arith.constant 2 : i32
      %scan3A_203 = arith.addi %scan3A_180, %scan3A_202 : i32
      %mul3A_204 = arith.constant 8 : i32
      %mul3A_205 = arith.muli %scan3A_203, %mul3A_204 : i32
      %add3A_206 = arith.constant 0 : i32
      %add3A_207 = arith.addi %add3A_206, %mul3A_205 : i32
      %get3A_208 = arith.index_cast %add3A_207 : i32 to index
      %get3A_209 = tpu.vector_load %arg10[%get3A_208] {strides = array<i32>} : memref<8208xf32, #tpu.memory_space<vmem>>, vector<16xf32>,
      %swap3A_210 = arith.index_cast %scan3A_203 : i32 to index
      %swap3A_211 = arith.constant 0 : index
      %swap3A_212 = tpu.vector_load %arg11[%swap3A_210, %swap3A_211] {strides = array<i32>} : memref<256x128xf32, #tpu.memory_space<vmem>>, vector<16xf32>,
      tpu.vector_store %arg11[%swap3A_210, %swap3A_211], %get3A_209 {strides = array<i32>} : memref<256x128xf32, #tpu.memory_space<vmem>>, vector<16xf32>,
      %scan3A_213 = arith.constant 0 : i32
      %scan3A_214 = arith.constant 3 : i32
      %scan3A_215 = arith.addi %scan3A_180, %scan3A_214 : i32
      %mul3A_216 = arith.constant 8 : i32
      %mul3A_217 = arith.muli %scan3A_215, %mul3A_216 : i32
      %add3A_218 = arith.constant 0 : i32
      %add3A_219 = arith.addi %add3A_218, %mul3A_217 : i32
      %get3A_220 = arith.index_cast %add3A_219 : i32 to index
      %get3A_221 = tpu.vector_load %arg10[%get3A_220] {strides = array<i32>} : memref<8208xf32, #tpu.memory_space<vmem>>, vector<16xf32>,
      %swap3A_222 = arith.index_cast %scan3A_215 : i32 to index
      %swap3A_223 = arith.constant 0 : index
      %swap3A_224 = tpu.vector_load %arg11[%swap3A_222, %swap3A_223] {strides = array<i32>} : memref<256x128xf32, #tpu.memory_space<vmem>>, vector<16xf32>,
      tpu.vector_store %arg11[%swap3A_222, %swap3A_223], %get3A_221 {strides = array<i32>} : memref<256x128xf32, #tpu.memory_space<vmem>>, vector<16xf32>,
      %scan3A_225 = arith.constant 0 : i32
      scf.yield %scan3A_225 : i32
    }
    %scan3A_92 = arith.constant 256 : i32
    %add3A_93 = arith.constant 0 : i32
    %add3A_94 = arith.addi %mul3A_79, %add3A_93 : i32
    %dma_start3A_95 = arith.constant 0 : i32
    %dma_start3A_96 = tpu.memref_slice %arg5[%add3A_94, %dma_start3A_95] : memref<32768x128xf32, #tpu.memory_space<hbm>> -> memref<256x128xf32, #tpu.memory_space<hbm>>
    %dma_start3A_97 = arith.constant 0 : i32
    %dma_start3A_98 = tpu.memref_slice %arg5[%add3A_94, %dma_start3A_97] : memref<32768x128xf32, #tpu.memory_space<hbm>> -> memref<256x128xf32, #tpu.memory_space<hbm>>
    tpu.enqueue_dma source(%arg11 : memref<256x128xf32, #tpu.memory_space<vmem>>) target(%dma_start3A_98 : memref<256x128xf32, #tpu.memory_space<hbm>>) target_semaphore(%arg17 : memref<!tpu.dma_semaphore, #tpu.memory_space<semaphore_mem>>)
    %dma_wait3A_99 = arith.constant 2048 : i32
    %dma_wait3A_100 = tpu.memref_slice %arg10[%dma_wait3A_99] : memref<8208xf32, #tpu.memory_space<vmem>> -> memref<2048xf32, #tpu.memory_space<vmem>>
    %dma_wait3A_101 = arith.constant 2048 : i32
    %dma_wait3A_102 = tpu.memref_slice %arg9[%dma_wait3A_101] : memref<8192xi32, #tpu.memory_space<vmem>> -> memref<2048xi32, #tpu.memory_space<vmem>>
    %dma_wait3A_103 = arith.constant 0 : i32
    %dma_wait3A_104 = tpu.memref_slice %arg4[%dma_wait3A_103] : memref<67108864xf32, #tpu.memory_space<hbm>> -> memref<67108864xf32, #tpu.memory_space<hbm>>
    tpu.wait_indirect_dma semaphore(%arg14 : memref<!tpu.dma_semaphore, #tpu.memory_space<semaphore_mem>>) src(%dma_wait3A_104 : memref<67108864xf32, #tpu.memory_space<hbm>>) dst(%dma_wait3A_100 : memref<2048xf32, #tpu.memory_space<vmem>>)
    %scan3A_105 = arith.constant 0 : i32
    %scan3A_106 = arith.constant 0 : i32
    %scan3A_107 = arith.constant 256 : i32
    %scan3A_108 = arith.addi %scan3A_106, %scan3A_107 : i32
    %scan3A_109 = arith.constant 4 : i32
    %scan3A_110 = scf.for %scan3A_180 = %scan3A_106 to %scan3A_108 step %scan3A_109 iter_args(%scan3A_181 = %scan3A_105) -> (i32)  : i32 {
      %mul3A_182 = arith.constant 8 : i32
      %mul3A_183 = arith.muli %scan3A_180, %mul3A_182 : i32
      %add3A_184 = arith.constant 2048 : i32
      %add3A_185 = arith.addi %add3A_184, %mul3A_183 : i32
      %get3A = arith.index_cast %add3A_185 : i32 to index
      %get3A_186 = tpu.vector_load %arg10[%get3A] {strides = array<i32>} : memref<8208xf32, #tpu.memory_space<vmem>>, vector<16xf32>,
      %swap3A = arith.index_cast %scan3A_180 : i32 to index
      %swap3A_187 = arith.constant 0 : index
      %swap3A_188 = tpu.vector_load %arg12[%swap3A, %swap3A_187] {strides = array<i32>} : memref<256x128xf32, #tpu.memory_space<vmem>>, vector<16xf32>,
      tpu.vector_store %arg12[%swap3A, %swap3A_187], %get3A_186 {strides = array<i32>} : memref<256x128xf32, #tpu.memory_space<vmem>>, vector<16xf32>,
      %scan3A_189 = arith.constant 0 : i32
      %scan3A_190 = arith.constant 1 : i32
      %scan3A_191 = arith.addi %scan3A_180, %scan3A_190 : i32
      %mul3A_192 = arith.constant 8 : i32
      %mul3A_193 = arith.muli %scan3A_191, %mul3A_192 : i32
      %add3A_194 = arith.constant 2048 : i32
      %add3A_195 = arith.addi %add3A_194, %mul3A_193 : i32
      %get3A_196 = arith.index_cast %add3A_195 : i32 to index
      %get3A_197 = tpu.vector_load %arg10[%get3A_196] {strides = array<i32>} : memref<8208xf32, #tpu.memory_space<vmem>>, vector<16xf32>,
      %swap3A_198 = arith.index_cast %scan3A_191 : i32 to index
      %swap3A_199 = arith.constant 0 : index
      %swap3A_200 = tpu.vector_load %arg12[%swap3A_198, %swap3A_199] {strides = array<i32>} : memref<256x128xf32, #tpu.memory_space<vmem>>, vector<16xf32>,
      tpu.vector_store %arg12[%swap3A_198, %swap3A_199], %get3A_197 {strides = array<i32>} : memref<256x128xf32, #tpu.memory_space<vmem>>, vector<16xf32>,
      %scan3A_201 = arith.constant 0 : i32
      %scan3A_202 = arith.constant 2 : i32
      %scan3A_203 = arith.addi %scan3A_180, %scan3A_202 : i32
      %mul3A_204 = arith.constant 8 : i32
      %mul3A_205 = arith.muli %scan3A_203, %mul3A_204 : i32
      %add3A_206 = arith.constant 2048 : i32
      %add3A_207 = arith.addi %add3A_206, %mul3A_205 : i32
      %get3A_208 = arith.index_cast %add3A_207 : i32 to index
      %get3A_209 = tpu.vector_load %arg10[%get3A_208] {strides = array<i32>} : memref<8208xf32, #tpu.memory_space<vmem>>, vector<16xf32>,
      %swap3A_210 = arith.index_cast %scan3A_203 : i32 to index
      %swap3A_211 = arith.constant 0 : index
      %swap3A_212 = tpu.vector_load %arg12[%swap3A_210, %swap3A_211] {strides = array<i32>} : memref<256x128xf32, #tpu.memory_space<vmem>>, vector<16xf32>,
      tpu.vector_store %arg12[%swap3A_210, %swap3A_211], %get3A_209 {strides = array<i32>} : memref<256x128xf32, #tpu.memory_space<vmem>>, vector<16xf32>,
      %scan3A_213 = arith.constant 0 : i32
      %scan3A_214 = arith.constant 3 : i32
      %scan3A_215 = arith.addi %scan3A_180, %scan3A_214 : i32
      %mul3A_216 = arith.constant 8 : i32
      %mul3A_217 = arith.muli %scan3A_215, %mul3A_216 : i32
      %add3A_218 = arith.constant 2048 : i32
      %add3A_219 = arith.addi %add3A_218, %mul3A_217 : i32
      %get3A_220 = arith.index_cast %add3A_219 : i32 to index
      %get3A_221 = tpu.vector_load %arg10[%get3A_220] {strides = array<i32>} : memref<8208xf32, #tpu.memory_space<vmem>>, vector<16xf32>,
      %swap3A_222 = arith.index_cast %scan3A_215 : i32 to index
      %swap3A_223 = arith.constant 0 : index
      %swap3A_224 = tpu.vector_load %arg12[%swap3A_222, %swap3A_223] {strides = array<i32>} : memref<256x128xf32, #tpu.memory_space<vmem>>, vector<16xf32>,
      tpu.vector_store %arg12[%swap3A_222, %swap3A_223], %get3A_221 {strides = array<i32>} : memref<256x128xf32, #tpu.memory_space<vmem>>, vector<16xf32>,
      %scan3A_225 = arith.constant 0 : i32
      scf.yield %scan3A_225 : i32
    }
    %scan3A_111 = arith.constant 256 : i32
    %add3A_112 = arith.constant 256 : i32
    %add3A_113 = arith.addi %mul3A_79, %add3A_112 : i32
    %dma_start3A_114 = arith.constant 0 : i32
    %dma_start3A_115 = tpu.memref_slice %arg5[%add3A_113, %dma_start3A_114] : memref<32768x128xf32, #tpu.memory_space<hbm>> -> memref<256x128xf32, #tpu.memory_space<hbm>>
    %dma_start3A_116 = arith.constant 0 : i32
    %dma_start3A_117 = tpu.memref_slice %arg5[%add3A_113, %dma_start3A_116] : memref<32768x128xf32, #tpu.memory_space<hbm>> -> memref<256x128xf32, #tpu.memory_space<hbm>>
    tpu.enqueue_dma source(%arg12 : memref<256x128xf32, #tpu.memory_space<vmem>>) target(%dma_start3A_117 : memref<256x128xf32, #tpu.memory_space<hbm>>) target_semaphore(%arg18 : memref<!tpu.dma_semaphore, #tpu.memory_space<semaphore_mem>>)
    %dma_wait3A_118 = arith.constant 4096 : i32
    %dma_wait3A_119 = tpu.memref_slice %arg10[%dma_wait3A_118] : memref<8208xf32, #tpu.memory_space<vmem>> -> memref<2048xf32, #tpu.memory_space<vmem>>
    %dma_wait3A_120 = arith.constant 4096 : i32
    %dma_wait3A_121 = tpu.memref_slice %arg9[%dma_wait3A_120] : memref<8192xi32, #tpu.memory_space<vmem>> -> memref<2048xi32, #tpu.memory_space<vmem>>
    %dma_wait3A_122 = arith.constant 0 : i32
    %dma_wait3A_123 = tpu.memref_slice %arg4[%dma_wait3A_122] : memref<67108864xf32, #tpu.memory_space<hbm>> -> memref<67108864xf32, #tpu.memory_space<hbm>>
    tpu.wait_indirect_dma semaphore(%arg15 : memref<!tpu.dma_semaphore, #tpu.memory_space<semaphore_mem>>) src(%dma_wait3A_123 : memref<67108864xf32, #tpu.memory_space<hbm>>) dst(%dma_wait3A_119 : memref<2048xf32, #tpu.memory_space<vmem>>)
    %add3A_124 = arith.constant 0 : i32
    %add3A_125 = arith.addi %mul3A_79, %add3A_124 : i32
    %dma_wait3A_126 = arith.constant 0 : i32
    %dma_wait3A_127 = tpu.memref_slice %arg5[%add3A_125, %dma_wait3A_126] : memref<32768x128xf32, #tpu.memory_space<hbm>> -> memref<256x128xf32, #tpu.memory_space<hbm>>
    %dma_wait3A_128 = arith.constant 0 : i32
    %dma_wait3A_129 = tpu.memref_slice %arg5[%add3A_125, %dma_wait3A_128] : memref<32768x128xf32, #tpu.memory_space<hbm>> -> memref<256x128xf32, #tpu.memory_space<hbm>>
    tpu.wait_dma2 semaphore(%arg17 : memref<!tpu.dma_semaphore, #tpu.memory_space<semaphore_mem>>) src(%arg11 : memref<256x128xf32, #tpu.memory_space<vmem>>) dst(%dma_wait3A_129 : memref<256x128xf32, #tpu.memory_space<hbm>>)
    %scan3A_130 = arith.constant 0 : i32
    %scan3A_131 = arith.constant 0 : i32
    %scan3A_132 = arith.constant 256 : i32
    %scan3A_133 = arith.addi %scan3A_131, %scan3A_132 : i32
    %scan3A_134 = arith.constant 4 : i32
    %scan3A_135 = scf.for %scan3A_180 = %scan3A_131 to %scan3A_133 step %scan3A_134 iter_args(%scan3A_181 = %scan3A_130) -> (i32)  : i32 {
      %mul3A_182 = arith.constant 8 : i32
      %mul3A_183 = arith.muli %scan3A_180, %mul3A_182 : i32
      %add3A_184 = arith.constant 4096 : i32
      %add3A_185 = arith.addi %add3A_184, %mul3A_183 : i32
      %get3A = arith.index_cast %add3A_185 : i32 to index
      %get3A_186 = tpu.vector_load %arg10[%get3A] {strides = array<i32>} : memref<8208xf32, #tpu.memory_space<vmem>>, vector<16xf32>,
      %swap3A = arith.index_cast %scan3A_180 : i32 to index
      %swap3A_187 = arith.constant 0 : index
      %swap3A_188 = tpu.vector_load %arg11[%swap3A, %swap3A_187] {strides = array<i32>} : memref<256x128xf32, #tpu.memory_space<vmem>>, vector<16xf32>,
      tpu.vector_store %arg11[%swap3A, %swap3A_187], %get3A_186 {strides = array<i32>} : memref<256x128xf32, #tpu.memory_space<vmem>>, vector<16xf32>,
      %scan3A_189 = arith.constant 0 : i32
      %scan3A_190 = arith.constant 1 : i32
      %scan3A_191 = arith.addi %scan3A_180, %scan3A_190 : i32
      %mul3A_192 = arith.constant 8 : i32
      %mul3A_193 = arith.muli %scan3A_191, %mul3A_192 : i32
      %add3A_194 = arith.constant 4096 : i32
      %add3A_195 = arith.addi %add3A_194, %mul3A_193 : i32
      %get3A_196 = arith.index_cast %add3A_195 : i32 to index
      %get3A_197 = tpu.vector_load %arg10[%get3A_196] {strides = array<i32>} : memref<8208xf32, #tpu.memory_space<vmem>>, vector<16xf32>,
      %swap3A_198 = arith.index_cast %scan3A_191 : i32 to index
      %swap3A_199 = arith.constant 0 : index
      %swap3A_200 = tpu.vector_load %arg11[%swap3A_198, %swap3A_199] {strides = array<i32>} : memref<256x128xf32, #tpu.memory_space<vmem>>, vector<16xf32>,
      tpu.vector_store %arg11[%swap3A_198, %swap3A_199], %get3A_197 {strides = array<i32>} : memref<256x128xf32, #tpu.memory_space<vmem>>, vector<16xf32>,
      %scan3A_201 = arith.constant 0 : i32
      %scan3A_202 = arith.constant 2 : i32
      %scan3A_203 = arith.addi %scan3A_180, %scan3A_202 : i32
      %mul3A_204 = arith.constant 8 : i32
      %mul3A_205 = arith.muli %scan3A_203, %mul3A_204 : i32
      %add3A_206 = arith.constant 4096 : i32
      %add3A_207 = arith.addi %add3A_206, %mul3A_205 : i32
      %get3A_208 = arith.index_cast %add3A_207 : i32 to index
      %get3A_209 = tpu.vector_load %arg10[%get3A_208] {strides = array<i32>} : memref<8208xf32, #tpu.memory_space<vmem>>, vector<16xf32>,
      %swap3A_210 = arith.index_cast %scan3A_203 : i32 to index
      %swap3A_211 = arith.constant 0 : index
      %swap3A_212 = tpu.vector_load %arg11[%swap3A_210, %swap3A_211] {strides = array<i32>} : memref<256x128xf32, #tpu.memory_space<vmem>>, vector<16xf32>,
      tpu.vector_store %arg11[%swap3A_210, %swap3A_211], %get3A_209 {strides = array<i32>} : memref<256x128xf32, #tpu.memory_space<vmem>>, vector<16xf32>,
      %scan3A_213 = arith.constant 0 : i32
      %scan3A_214 = arith.constant 3 : i32
      %scan3A_215 = arith.addi %scan3A_180, %scan3A_214 : i32
      %mul3A_216 = arith.constant 8 : i32
      %mul3A_217 = arith.muli %scan3A_215, %mul3A_216 : i32
      %add3A_218 = arith.constant 4096 : i32
      %add3A_219 = arith.addi %add3A_218, %mul3A_217 : i32
      %get3A_220 = arith.index_cast %add3A_219 : i32 to index
      %get3A_221 = tpu.vector_load %arg10[%get3A_220] {strides = array<i32>} : memref<8208xf32, #tpu.memory_space<vmem>>, vector<16xf32>,
      %swap3A_222 = arith.index_cast %scan3A_215 : i32 to index
      %swap3A_223 = arith.constant 0 : index
      %swap3A_224 = tpu.vector_load %arg11[%swap3A_222, %swap3A_223] {strides = array<i32>} : memref<256x128xf32, #tpu.memory_space<vmem>>, vector<16xf32>,
      tpu.vector_store %arg11[%swap3A_222, %swap3A_223], %get3A_221 {strides = array<i32>} : memref<256x128xf32, #tpu.memory_space<vmem>>, vector<16xf32>,
      %scan3A_225 = arith.constant 0 : i32
      scf.yield %scan3A_225 : i32
    }
    %scan3A_136 = arith.constant 256 : i32
    %add3A_137 = arith.constant 512 : i32
    %add3A_138 = arith.addi %mul3A_79, %add3A_137 : i32
    %dma_start3A_139 = arith.constant 0 : i32
    %dma_start3A_140 = tpu.memref_slice %arg5[%add3A_138, %dma_start3A_139] : memref<32768x128xf32, #tpu.memory_space<hbm>> -> memref<256x128xf32, #tpu.memory_space<hbm>>
    %dma_start3A_141 = arith.constant 0 : i32
    %dma_start3A_142 = tpu.memref_slice %arg5[%add3A_138, %dma_start3A_141] : memref<32768x128xf32, #tpu.memory_space<hbm>> -> memref<256x128xf32, #tpu.memory_space<hbm>>
    tpu.enqueue_dma source(%arg11 : memref<256x128xf32, #tpu.memory_space<vmem>>) target(%dma_start3A_142 : memref<256x128xf32, #tpu.memory_space<hbm>>) target_semaphore(%arg17 : memref<!tpu.dma_semaphore, #tpu.memory_space<semaphore_mem>>)
    %dma_wait3A_143 = arith.constant 6144 : i32
    %dma_wait3A_144 = tpu.memref_slice %arg10[%dma_wait3A_143] : memref<8208xf32, #tpu.memory_space<vmem>> -> memref<2048xf32, #tpu.memory_space<vmem>>
    %dma_wait3A_145 = arith.constant 6144 : i32
    %dma_wait3A_146 = tpu.memref_slice %arg9[%dma_wait3A_145] : memref<8192xi32, #tpu.memory_space<vmem>> -> memref<2048xi32, #tpu.memory_space<vmem>>
    %dma_wait3A_147 = arith.constant 0 : i32
    %dma_wait3A_148 = tpu.memref_slice %arg4[%dma_wait3A_147] : memref<67108864xf32, #tpu.memory_space<hbm>> -> memref<67108864xf32, #tpu.memory_space<hbm>>
    tpu.wait_indirect_dma semaphore(%arg16 : memref<!tpu.dma_semaphore, #tpu.memory_space<semaphore_mem>>) src(%dma_wait3A_148 : memref<67108864xf32, #tpu.memory_space<hbm>>) dst(%dma_wait3A_144 : memref<2048xf32, #tpu.memory_space<vmem>>)
    %add3A_149 = arith.constant 256 : i32
    %add3A_150 = arith.addi %mul3A_79, %add3A_149 : i32
    %dma_wait3A_151 = arith.constant 0 : i32
    %dma_wait3A_152 = tpu.memref_slice %arg5[%add3A_150, %dma_wait3A_151] : memref<32768x128xf32, #tpu.memory_space<hbm>> -> memref<256x128xf32, #tpu.memory_space<hbm>>
    %dma_wait3A_153 = arith.constant 0 : i32
    %dma_wait3A_154 = tpu.memref_slice %arg5[%add3A_150, %dma_wait3A_153] : memref<32768x128xf32, #tpu.memory_space<hbm>> -> memref<256x128xf32, #tpu.memory_space<hbm>>
    tpu.wait_dma2 semaphore(%arg18 : memref<!tpu.dma_semaphore, #tpu.memory_space<semaphore_mem>>) src(%arg12 : memref<256x128xf32, #tpu.memory_space<vmem>>) dst(%dma_wait3A_154 : memref<256x128xf32, #tpu.memory_space<hbm>>)
    %scan3A_155 = arith.constant 0 : i32
    %scan3A_156 = arith.constant 0 : i32
    %scan3A_157 = arith.constant 256 : i32
    %scan3A_158 = arith.addi %scan3A_156, %scan3A_157 : i32
    %scan3A_159 = arith.constant 4 : i32
    %scan3A_160 = scf.for %scan3A_180 = %scan3A_156 to %scan3A_158 step %scan3A_159 iter_args(%scan3A_181 = %scan3A_155) -> (i32)  : i32 {
      %mul3A_182 = arith.constant 8 : i32
      %mul3A_183 = arith.muli %scan3A_180, %mul3A_182 : i32
      %add3A_184 = arith.constant 6144 : i32
      %add3A_185 = arith.addi %add3A_184, %mul3A_183 : i32
      %get3A = arith.index_cast %add3A_185 : i32 to index
      %get3A_186 = tpu.vector_load %arg10[%get3A] {strides = array<i32>} : memref<8208xf32, #tpu.memory_space<vmem>>, vector<16xf32>,
      %swap3A = arith.index_cast %scan3A_180 : i32 to index
      %swap3A_187 = arith.constant 0 : index
      %swap3A_188 = tpu.vector_load %arg12[%swap3A, %swap3A_187] {strides = array<i32>} : memref<256x128xf32, #tpu.memory_space<vmem>>, vector<16xf32>,
      tpu.vector_store %arg12[%swap3A, %swap3A_187], %get3A_186 {strides = array<i32>} : memref<256x128xf32, #tpu.memory_space<vmem>>, vector<16xf32>,
      %scan3A_189 = arith.constant 0 : i32
      %scan3A_190 = arith.constant 1 : i32
      %scan3A_191 = arith.addi %scan3A_180, %scan3A_190 : i32
      %mul3A_192 = arith.constant 8 : i32
      %mul3A_193 = arith.muli %scan3A_191, %mul3A_192 : i32
      %add3A_194 = arith.constant 6144 : i32
      %add3A_195 = arith.addi %add3A_194, %mul3A_193 : i32
      %get3A_196 = arith.index_cast %add3A_195 : i32 to index
      %get3A_197 = tpu.vector_load %arg10[%get3A_196] {strides = array<i32>} : memref<8208xf32, #tpu.memory_space<vmem>>, vector<16xf32>,
      %swap3A_198 = arith.index_cast %scan3A_191 : i32 to index
      %swap3A_199 = arith.constant 0 : index
      %swap3A_200 = tpu.vector_load %arg12[%swap3A_198, %swap3A_199] {strides = array<i32>} : memref<256x128xf32, #tpu.memory_space<vmem>>, vector<16xf32>,
      tpu.vector_store %arg12[%swap3A_198, %swap3A_199], %get3A_197 {strides = array<i32>} : memref<256x128xf32, #tpu.memory_space<vmem>>, vector<16xf32>,
      %scan3A_201 = arith.constant 0 : i32
      %scan3A_202 = arith.constant 2 : i32
      %scan3A_203 = arith.addi %scan3A_180, %scan3A_202 : i32
      %mul3A_204 = arith.constant 8 : i32
      %mul3A_205 = arith.muli %scan3A_203, %mul3A_204 : i32
      %add3A_206 = arith.constant 6144 : i32
      %add3A_207 = arith.addi %add3A_206, %mul3A_205 : i32
      %get3A_208 = arith.index_cast %add3A_207 : i32 to index
      %get3A_209 = tpu.vector_load %arg10[%get3A_208] {strides = array<i32>} : memref<8208xf32, #tpu.memory_space<vmem>>, vector<16xf32>,
      %swap3A_210 = arith.index_cast %scan3A_203 : i32 to index
      %swap3A_211 = arith.constant 0 : index
      %swap3A_212 = tpu.vector_load %arg12[%swap3A_210, %swap3A_211] {strides = array<i32>} : memref<256x128xf32, #tpu.memory_space<vmem>>, vector<16xf32>,
      tpu.vector_store %arg12[%swap3A_210, %swap3A_211], %get3A_209 {strides = array<i32>} : memref<256x128xf32, #tpu.memory_space<vmem>>, vector<16xf32>,
      %scan3A_213 = arith.constant 0 : i32
      %scan3A_214 = arith.constant 3 : i32
      %scan3A_215 = arith.addi %scan3A_180, %scan3A_214 : i32
      %mul3A_216 = arith.constant 8 : i32
      %mul3A_217 = arith.muli %scan3A_215, %mul3A_216 : i32
      %add3A_218 = arith.constant 6144 : i32
      %add3A_219 = arith.addi %add3A_218, %mul3A_217 : i32
      %get3A_220 = arith.index_cast %add3A_219 : i32 to index
      %get3A_221 = tpu.vector_load %arg10[%get3A_220] {strides = array<i32>} : memref<8208xf32, #tpu.memory_space<vmem>>, vector<16xf32>,
      %swap3A_222 = arith.index_cast %scan3A_215 : i32 to index
      %swap3A_223 = arith.constant 0 : index
      %swap3A_224 = tpu.vector_load %arg12[%swap3A_222, %swap3A_223] {strides = array<i32>} : memref<256x128xf32, #tpu.memory_space<vmem>>, vector<16xf32>,
      tpu.vector_store %arg12[%swap3A_222, %swap3A_223], %get3A_221 {strides = array<i32>} : memref<256x128xf32, #tpu.memory_space<vmem>>, vector<16xf32>,
      %scan3A_225 = arith.constant 0 : i32
      scf.yield %scan3A_225 : i32
    }
    %scan3A_161 = arith.constant 256 : i32
    %add3A_162 = arith.constant 768 : i32
    %add3A_163 = arith.addi %mul3A_79, %add3A_162 : i32
    %dma_start3A_164 = arith.constant 0 : i32
    %dma_start3A_165 = tpu.memref_slice %arg5[%add3A_163, %dma_start3A_164] : memref<32768x128xf32, #tpu.memory_space<hbm>> -> memref<256x128xf32, #tpu.memory_space<hbm>>
    %dma_start3A_166 = arith.constant 0 : i32
    %dma_start3A_167 = tpu.memref_slice %arg5[%add3A_163, %dma_start3A_166] : memref<32768x128xf32, #tpu.memory_space<hbm>> -> memref<256x128xf32, #tpu.memory_space<hbm>>
    tpu.enqueue_dma source(%arg12 : memref<256x128xf32, #tpu.memory_space<vmem>>) target(%dma_start3A_167 : memref<256x128xf32, #tpu.memory_space<hbm>>) target_semaphore(%arg18 : memref<!tpu.dma_semaphore, #tpu.memory_space<semaphore_mem>>)
    %add3A_168 = arith.constant 512 : i32
    %add3A_169 = arith.addi %mul3A_79, %add3A_168 : i32
    %dma_wait3A_170 = arith.constant 0 : i32
    %dma_wait3A_171 = tpu.memref_slice %arg5[%add3A_169, %dma_wait3A_170] : memref<32768x128xf32, #tpu.memory_space<hbm>> -> memref<256x128xf32, #tpu.memory_space<hbm>>
    %dma_wait3A_172 = arith.constant 0 : i32
    %dma_wait3A_173 = tpu.memref_slice %arg5[%add3A_169, %dma_wait3A_172] : memref<32768x128xf32, #tpu.memory_space<hbm>> -> memref<256x128xf32, #tpu.memory_space<hbm>>
    tpu.wait_dma2 semaphore(%arg17 : memref<!tpu.dma_semaphore, #tpu.memory_space<semaphore_mem>>) src(%arg11 : memref<256x128xf32, #tpu.memory_space<vmem>>) dst(%dma_wait3A_173 : memref<256x128xf32, #tpu.memory_space<hbm>>)
    %add3A_174 = arith.constant 768 : i32
    %add3A_175 = arith.addi %mul3A_79, %add3A_174 : i32
    %dma_wait3A_176 = arith.constant 0 : i32
    %dma_wait3A_177 = tpu.memref_slice %arg5[%add3A_175, %dma_wait3A_176] : memref<32768x128xf32, #tpu.memory_space<hbm>> -> memref<256x128xf32, #tpu.memory_space<hbm>>
    %dma_wait3A_178 = arith.constant 0 : i32
    %dma_wait3A_179 = tpu.memref_slice %arg5[%add3A_175, %dma_wait3A_178] : memref<32768x128xf32, #tpu.memory_space<hbm>> -> memref<256x128xf32, #tpu.memory_space<hbm>>
    tpu.wait_dma2 semaphore(%arg18 : memref<!tpu.dma_semaphore, #tpu.memory_space<semaphore_mem>>) src(%arg12 : memref<256x128xf32, #tpu.memory_space<vmem>>) dst(%dma_wait3A_179 : memref<256x128xf32, #tpu.memory_space<hbm>>)
    return
  }
}

</mosaic_0001>

<sc_bundles>
// kernel: kernel.3.cloned.1.call-start
scs
__scs_entry_jumppad:
0x0: {  	(pc) =	sbr.rel $0x88, $3  }
0x1: {  	(tag) =	ssettag $0x0;
	lr =	simm.s32 $0x1  }
0x2: {  	[smem:$0x3F9E] =	sst lr;
	_ =	strace $0xD0000000  }
0x3: {  	_ = 	snop  }
0x4: {  	_ = 	snop  }
0x5: {  	_ = 	snop  }
0x6: {  	_ = 	snop  }
0x7: {  	_ = 	snop  }
__scs_overlays_trampoline_lowered:
0x8: {  	[smem:$0x3FAD] =	sst s0  }
0x9: {  	[smem:$0x3FAE] =	sst s1  }
0xa: {  	[smem:$0x3FAF] =	sst s2  }
0xb: {  	[smem:$0x3FB0] =	sst s3  }
0xc: {  	[smem:$0x3FB1] =	sst s4  }
0xd: {  	[smem:$0x3FB2] =	sst s5  }
0xe: {  	[smem:$0x3FB3] =	sst s6  }
0xf: {  	[smem:$0x3FB4] =	sst s7  }
0x10: {  	[smem:$0x3FB5] =	sst s8  }
0x11: {  	[smem:$0x3FB6] =	sst s9;
	s0 =	simm.s32 @!p0 $0x0  }
0x12: {  	s1 =	sld [smem:$0x3F9C];
	s0 =	simm.s32 @p0 $0x1  }
0x13: {  	[smem:$0x3FB7] =	sst s0;
	s0 =	simm.s32 @!p1 $0x0  }
0x14: {  	s2 =	sld [smem:$0x3F9B];
	s0 =	simm.s32 @p1 $0x1  }
0x15: {  	[smem:$0x3FB8] =	sst s0;
	s0 =	simm.s32 @!p2 $0x0  }
0x16: {  	s3 =	sld [smem:$0x3FDB];
	s0 =	simm.s32 @p2 $0x1  }
0x17: {  	s4 =	simm.s32 $0x1BF5;
	[smem:$0x3FBA] =	sst s0  }
0x18: {  	s0 =	sld [smem:$0x3F9D];
	_ =	swait.ge [sflag:s4], $0x0  }
0x19: {  	s7 =	sld [smem:$0x3F9E]  }
0x1a: {  	s8 =	sadd.s32 $0xFFFFE003, lr  }
0x1b: {  	s9 =	sadd.s32 $0xFFFFFEF7, lr;
	s5 =	simm.s32 $0xFFFFFFFF;
	p2 =	slt.u32 s8, $0xFFFFF086  }
0x1c: {  	p1 =	slt.u32 s9, $0xF7A;
	s5 =	simm.s32 @!p2 $0x0  }
0x1d: {  	s5 =	simm.s32 @p1 $0x1;
	p0 =	seq.s32 s7, s2  }
0x1e: {  	s7 =	smul.u32 @!p0 $0xF7A, s2;
	p2 =	seq.s32 @!p0 s5, $0x0  }
0x1f: {  	s9 =	smul.u32 $0xF7A, s1;
	s8 =	simm.s32 @!p0 $0x1BF5;
	p2 =	por !p2, p0  }
0x20: {  	[sflag:s8] =	ssyncset.s32 @!p0 $0xFFFFF086;
	s6 =	sadd.s32 @!p0 s3, s7;
	s7 =	simm.s32 @!p0 $0x108  }
0x21: {  	s3 =	sadd.s32 s3, s9;
	s6 =	sadd.s32 @!p0 $0x88, s6;
	s7 =	simm.s32 @p2 $0x1082  }
0x22: {  	[simem:s7], [sflag:s8] =	dma.local @!p0 [hbm:s6], $0xF7A  }
0x23: {  	s9 =	sor.u32 $0xD0000000, s2;
	s6 =	simm.s32 $0x108;
	_ =	swait.ge @!p0 [sflag:s8], $0x0  }
0x24: {  	s3 =	sadd.s32 $0x88, s3;
	s6 =	simm.s32 @!p1 $0x1082;
	[sflag:s4] =	ssyncset.s32 $0xFFFFF086  }
0x25: {  	[simem:s6], [sflag:s4] =	dma.local [hbm:s3], $0xF7A  }
0x26: {  	[smem:$0x3F9E] =	sst s1;
	(tag) =	ssettag s2;
	_ =	strace s9  }
0x27: {  	s1 =	sld [smem:$0x3FAE]  }
0x28: {  	s2 =	sld [smem:$0x3FAF]  }
0x29: {  	s4 =	sld [smem:$0x3FB1]  }
0x2a: {  	p0 =	seq.s32 s5, $0x0;
	s5 =	sld [smem:$0x3FB2]  }
0x2b: {  	s6 =	sld [smem:$0x3FB3]  }
0x2c: {  	s7 =	sld [smem:$0x3FB4]  }
0x2d: {  	s3 =	simm.s32 $0x108;
	s8 =	sld [smem:$0x3FB5]  }
0x2e: {  	s3 =	simm.s32 @!p0 $0x1082;
	s9 =	sld [smem:$0x3FB6]  }
0x2f: {  	lr =	sadd.s32 s0, s3;
	s0 =	sld [smem:$0x3FAD]  }
0x30: {  	s3 =	sld [smem:$0x3FB0]  }
0x31: {  	[smem:$0x3FB9] =	sst s10  }
0x32: {  	s10 =	sld [smem:$0x3FB7];
	_ =	sdelay $0x3  }
0x33: {  	p0 =	seq.s32 s10, $0x1;
	s10 =	sld [smem:$0x3FB9];
	_ =	sdelay $0x3  }
0x34: {  	[smem:$0x3FB9] =	sst s10  }
0x35: {  	s10 =	sld [smem:$0x3FB8];
	_ =	sdelay $0x3  }
0x36: {  	p1 =	seq.s32 s10, $0x1;
	s10 =	sld [smem:$0x3FB9];
	_ =	sdelay $0x3  }
0x37: {  	[smem:$0x3FB9] =	sst s10  }
0x38: {  	s10 =	sld [smem:$0x3FBA]  }
0x39: {  	_ = 	snop;
	(pc) =	sbr.ind lr, $3  }
0x3a: {  	_ = 	snop  }
0x3b: {  	_ = 	snop  }
0x3c: {  	p2 =	seq.s32 s10, $0x1;
	s10 =	sld [smem:$0x3FB9]  }
0x3d: {  	_ =	shalt  }
0x3e: {  	_ =	shalt  }
0x3f: {  	_ =	shalt  }
0x40: {  	_ =	shalt  }
0x41: {  	_ =	shalt  }
0x42: {  	_ =	shalt  }
0x43: {  	_ =	shalt  }
0x44: {  	_ =	shalt  }
0x45: {  	_ =	shalt  }
0x46: {  	_ =	shalt  }
0x47: {  	_ =	shalt  }
0x48: {  	_ =	shalt  }
0x49: {  	_ =	shalt  }
0x4a: {  	_ =	shalt  }
0x4b: {  	_ =	shalt  }
0x4c: {  	_ =	shalt  }
0x4d: {  	_ =	shalt  }
0x4e: {  	_ =	shalt  }
0x4f: {  	_ =	shalt  }
0x50: {  	_ =	shalt  }
0x51: {  	_ =	shalt  }
0x52: {  	_ =	shalt  }
0x53: {  	_ =	shalt  }
0x54: {  	_ =	shalt  }
0x55: {  	_ =	shalt  }
0x56: {  	_ =	shalt  }
0x57: {  	_ =	shalt  }
0x58: {  	_ =	shalt  }
0x59: {  	_ =	shalt  }
0x5a: {  	_ =	shalt  }
0x5b: {  	_ =	shalt  }
0x5c: {  	_ =	shalt  }
0x5d: {  	_ =	shalt  }
0x5e: {  	_ =	shalt  }
0x5f: {  	_ =	shalt  }
0x60: {  	_ =	shalt  }
0x61: {  	_ =	shalt  }
0x62: {  	_ =	shalt  }
0x63: {  	_ =	shalt  }
0x64: {  	_ =	shalt  }
0x65: {  	_ =	shalt  }
0x66: {  	_ =	shalt  }
0x67: {  	_ =	shalt  }
0x68: {  	_ =	shalt  }
0x69: {  	_ =	shalt  }
0x6a: {  	_ =	shalt  }
0x6b: {  	_ =	shalt  }
0x6c: {  	_ =	shalt  }
0x6d: {  	_ =	shalt  }
0x6e: {  	_ =	shalt  }
0x6f: {  	_ =	shalt  }
0x70: {  	_ =	shalt  }
0x71: {  	_ =	shalt  }
0x72: {  	_ =	shalt  }
0x73: {  	_ =	shalt  }
0x74: {  	_ =	shalt  }
0x75: {  	_ =	shalt  }
0x76: {  	_ =	shalt  }
0x77: {  	_ =	shalt  }
0x78: {  	_ =	shalt  }
0x79: {  	_ =	shalt  }
0x7a: {  	_ =	shalt  }
0x7b: {  	_ =	shalt  }
0x7c: {  	_ =	shalt  }
0x7d: {  	_ =	shalt  }
0x7e: {  	_ =	shalt  }
0x7f: {  	_ =	shalt  }
0x80: {  	_ =	shalt  }
0x81: {  	_ =	shalt  }
0x82: {  	_ =	shalt  }
0x83: {  	_ =	shalt  }
0x84: {  	_ =	shalt  }
0x85: {  	_ =	shalt  }
0x86: {  	_ =	shalt  }
0x87: {  	_ =	shalt  }
.Lfunc_end0:
.L_simem_size_0:
called_computation_lowered:
.L_overlay_start_0:
0x88: {  	s2 =	sld [smem:$0x3FD9]  }
0x89: {  	s3 =	sld [smem:$0x3FFE];
	_ =	sdelay $0x1  }
0x8a: {  	s1 =	srdreg.scid  }
0x8b: {  	s0 =	sand.u32 $0x1, s1  }
0x8c: {  	s17 =	sshll.u32 s0, $0xA;
	s2 =	sadd.s32 s3, s2  }
0x8d: {  	s2 =	sadd.s32 s2, s17  }
0x8e: {  	[smem:$0x3FC5] =	sst s2  }
0x8f: {  	_ = 	snop  }
0x90: {  	s2 =	sld [smem:$0x3FC9]  }
0x91: {  	s18 =	sld [smem:$0x3FC8]  }
0x92: {  	s4 =	sld [smem:$0x3FD0];
	(tm) =	ssettm $0x1  }
0x93: {  	s5 =	sld [smem:$0x3FFB];
	_ =	sdelay $0x3  }
0x94: {  	_ =	strace s5  }
0x95: {  	s5 =	sld [smem:$0x3FFC];
	_ =	sdelay $0x3  }
0x96: {  	_ =	strace s5  }
0x97: {  	s5 =	sld [smem:$0x3FFD];
	_ =	sdelay $0x3  }
0x98: {  	_ =	strace s5  }
0x99: {  	_ =	strace $0x8FFFFFFF  }
0x9a: {  	s19 =	sld [smem:$0x3FDB];
	_ =	sdelay $0x1  }
0x9b: {  	s6 =	simm.s32 $_scs_section_size  }
0x9c: {  	s7 =	simm.s32 $_size__tile_overlayer_lowered;
	s8 =	simm.s32 $_tile_overlayer_lowered  }
0x9d: {  	s22 =	simm.s32 $0x1BFF;
	s21 =	sshll.u32 s8, $0x1;
	s5 =	sadd.s32 s6, s19  }
0x9e: {  	s9 =	simm.s32 $0x0;
	s20 =	sshll.u32 s7, $0x1;
	s7 =	sadd.s32 s21, s5  }
0x9f: {  	[timem:s9], [sflag:s22] =	dma.local [hbm:s7], s20  }
0xa0: {  	_ =	swait.ge [sflag:s22], s20  }
0xa1: {  	s6 =	ssub.s32 $0x0, s20;
	[sflag:s22] =	ssyncset.done $0x0  }
0xa2: {  	[sflag:s22] =	ssyncadd.s32 s6;
	_ =	sdelay $0x1  }
0xa3: {  	s23 =	simm.s32 $0x1B8B  }
0xa4: {  	_ =	swait.ge [sflag:s23], $0x1  }
0xa5: {  	[sflag:s23] =	ssyncset.done $0x0  }
0xa6: {  	s25 =	simm.s32 $0x1B8E;
	s24 =	sld [smem:$0x3FFE];
	[sflag:s23] =	ssyncadd.s32 $0xFFFFFFFF  }
0xa7: {  	s26 =	simm.s32 $execute0_lowered;
	[smem:$0x3FD2] =	sst s25  }
0xa8: {  	s7 =	sshll.u32 s26, $0x1;
	_ =	strace $0x80000046;
	[dreg:$0x1] =	wrdreg $0xFFFFFFFF  }
0xa9: {  	s28 =	simm.s32 $_size_execute0_lowered;
	s5 =	sadd.s32 s5, s7;
	[dreg:$0x0] =	wrdreg $0x0  }
0xaa: {  	s7 =	sshll.u32 s28, $0x1;
	[dreg:$0x2] =	wrdreg s5  }
0xab: {  	[dreg:$0x3] =	wrdreg s7  }
0xac: {  	[dreg:$0x4] =	wrdreg $0xC0  }
0xad: {  	_ =	task [dreg:s9], $0x5FFFF  }
0xae: {  	[dreg:$0x1] =	wrdreg $0xFFFFFFFF  }
0xaf: {  	[dreg:$0x0] =	wrdreg $0x60  }
0xb0: {  	[dreg:$0x2] =	wrdreg s4  }
0xb1: {  	[dreg:$0x3] =	wrdreg s18  }
0xb2: {  	[dreg:$0x4] =	wrdreg s2  }
0xb3: {  	[dreg:$0x5] =	wrdreg s24  }
0xb4: {  	[dreg:$0x6] =	wrdreg $0x9  }
0xb5: {  	_ =	task.clear_ibuf [dreg:s9], $0x7FFFF;
	_ =	strace $0x90000046  }
0xb6: {  	s29 =	simm.s32 $0x9;
	_ =	strace $0x80000048  }
0xb7: {  	_ =	swait.ge [sflag:s29], $0x1  }
0xb8: {  	[sflag:s29] =	ssyncadd.s32 $0xFFFFFFFF  }
0xb9: {  	_ =	strace $0x90000048  }
0xba: {  	_ =	sfence  }
0xbb: {  	s30 =	sld [smem:$0x0];
	_ =	sdelay $0x2  }
0xbc: {  	s31 =	sshll.u32 s1, $0xD;
	s1 =	sshrl.u32 s1, $0x2  }
0xbd: {  	s3 =	sand.u32 $0x4000, s31;
	s1 =	sadd.s32 s1, s30  }
0xbe: {  	s0 =	sor.u32 s3, s0;
	s1 =	sshll.u32 s1, $0x11  }
0xbf: {  	s0 =	sor.u32 s1, s0  }
0xc0: {  	s0 =	sadd.s32 $0x8F2B, s0  }
0xc1: {  	[sflag:s0] =	ssyncadd.remote.s32 $0x1  }
0xc2: {  	_ =	sfence.sel $0xFFFF  }
0xc3: {  	[dreg:$0x0] =	wrdreg $0xFFFFFFFF;
	(pc) =	sbr.abs _section_cstart, $3  }
0xc4: {  	[dreg:$0x1] =	wrdreg $0xFFFFFFFF  }
0xc5: {  	_ =	task.clear_ibuf [dreg:s9], $0x2FFFF;
	_ =	strace $0x9FFFFFFF  }
0xc6: {  	(tm) =	ssettm $0x7FFFFFFF  }
0xc7: {  	_ =	shalt  }
tec
execute0_lowered:
.L_overlay_start_1:
0x0: {  	(tag) =	ssettag $0x1  }
0x1: {  	s0 =	rddreg [dreg:$0x0]  }
0x2: {  	s2 =	rddreg [dreg:$0x2];
	v0 =	vimm.s32 $0xB80;
	vm0 =	vcmask $0x300  }
0x3: {  	s1 =	rddreg [dreg:$0x3];
	vm14 =	vcmask $0x704;
	v0 =	vsel vm0, $0x0, v0  }
0x4: {  	s3 =	srdreg.scid;
	s9 =	stileid.u32;
	s4 =	simm.s32 $0x0;
	vm15 =	vcmask $0xB08;
	v0 =	vsel vm14, $0x80, v0  }
0x5: {  	vm4 =	vcmask $0xF0C;
	s14 =	simm.s32 $0x5;
	s15 =	simm.s32 $0x6;
	s16 =	simm.s32 $0x200;
	v0 =	vsel vm15, $0x100, v0  }
0x6: {  	vm5 =	vcmask $0x1310;
	s17 =	simm.s32 $0x800;
	s28 =	simm.s32 $0x4380;
	s29 =	simm.s32 $0x2;
	v0 =	vsel vm4, $0x180, v0  }
0x7: {  	vm6 =	vcmask $0x1714;
	s30 =	simm.s32 $0xC380;
	s3 =	sand.u32 $0x1, s3;
	s5 =	sshll.u32 s9, $0x1;
	v0 =	vsel vm5, $0x200, v0  }
0x8: {  	vm7 =	vcmask $0x1B18;
	s31 =	simm.s32 $0x3;
	[smem:$0x7FF] =	sst s4;
	s5 =	sor.u32 s3, s5;
	v0 =	vsel vm6, $0x280, v0  }
0x9: {  	vm8 =	vcmask $0x1F1C;
	s25 =	sshll.u32 s9, $0x16;
	s7 =	sshll.u32 s5, $0xE;
	s5 =	sshll.u32 s5, $0x5;
	v0 =	vsel vm7, $0x300, v0  }
0xa: {  	vm9 =	vcmask $0x2320;
	s6 =	ssub.s32 $0x2, s3;
	s1 =	sadd.s32 s7, s1;
	s0 =	sadd.s32 s0, s5;
	v0 =	vsel vm8, $0x380, v0  }
0xb: {  	vm10 =	vcmask $0x2724;
	_ =	strace $0x80000047;
	[dreg:$0x5] =	wrdreg s0;
	s22 =	sadd.s32 $0x400, s1;
	v0 =	vsel vm9, $0x800, v0  }
0xc: {  	vm11 =	vcmask $0x2B28;
	s3 =	sshll.u32 s3, $0x15;
	s23 =	sadd.s32 $0x1400, s1;
	[dreg:$0x6] =	wrdreg s22;
	v0 =	vsel vm10, $0x880, v0  }
0xd: {  	vm12 =	vcmask $0x2F2C;
	s8 =	sshrl.u32 s6, $0x1;
	s24 =	sadd.s32 $0x2400, s1;
	[dreg:$0x7] =	wrdreg s23;
	v1 =	vsel vm11, $0x900, v0  }
0xe: {  	vm13 =	vcmask $0x3330;
	s10 =	ssub.s32 s6, s8;
	s1 =	sadd.s32 $0x3400, s1;
	[dreg:$0x8] =	wrdreg s24;
	v0 =	vimm.s32 $0x80;
	v2 =	vsel vm12, $0x980, v1  }
0xf: {  	v3 =	vlaneseq.u32;
	vm14 =	vcmask $0x3734;
	s11 =	sor.u32 s3, s25;
	s26 =	smax.u32 s10, $0x1;
	[dreg:$0x9] =	wrdreg s1;
	v2 =	vsel vm13, $0xA00, v2  }
0x10: {  	v3 =	vand.u32 $0x7, v3;
	vm15 =	vcmask $0x3B38;
	s3 =	simm.s32 $0x0;
	s0 =	sor.u32 $0x3000, s11;
	[dreg:$0xa] =	wrdreg s26;
	v4 =	vsel vm14, $0xA80, v2  }
0x11: {  	[dreg:$0xb] =	wrdreg s0;
	s26 =	simm.s32 $0x1;
	s0 =	simm.s32 $0x4;
	v1 =	vimm.s32 $0x0;
	v2 =	vimm.s32 $0x40;
	v4 =	vsel vm15, $0xB00, v4  }
.LBB2_1:
0x12: {  	s1 =	rddreg [dreg:$0x1]  }
0x13: {  	[tilespmem:s4], [sflag:$0x5] =	stream.linear.gather [hbm4b:s1+s4], $0x100, $0x38;
	[tilespmem:$0x14380] =	vst v63  }
0x14: {  	s25 =	rddreg [dreg:$0x5];
	s5 =	simm.s32 $0x100  }
0x15: {  	[tilespmem:s5], [sflag:$0x6] =	stream.linear.gather [hbm4b:s25+s4], $0x100, $0x38;
	[tilespmem:$0x14380] =	vst v63  }
0x16: {  	_ =	swait.ge [sflag:s14], $0x100  }
0x17: {  	[sflag:s14] =	ssyncset.done $0x0  }
0x18: {  	[sflag:s14] =	ssyncadd.s32 $0xFFFFFF00  }
0x19: {  	_ =	swait.ge [sflag:s15], $0x100  }
0x1a: {  	s13 =	simm.s32 $0xFFFFFFFE;
	[sflag:s15] =	ssyncset.done $0x0  }
0x1b: {  	s18 =	simm.s32 $0x210;
	s19 =	simm.s32 $0x110;
	[sflag:s15] =	ssyncadd.s32 $0xFFFFFF00  }
.LBB2_2:
0x1c: {  	v5 =	vld [tilespmem:s19+$0xFFFFFFF0];
	s1 =	simm.s32 $0x0  }
0x1d: {  	v6 =	vld.idx.msk [tilespmem:v0+s1+$0x0], $0xffff;
	_ =	sdelay $0x4  }
0x1e: {  	vm0 =	vlt.f32 v6, v5  }
0x1f: {  	v6 =	vsel vm0, $0xC0, v2;
	_ =	sdelay $0x4  }
0x20: {  	v7 =	vld.idx.msk [tilespmem:v6+s1+$0x0], $0xffff;
	_ =	sdelay $0x4  }
0x21: {  	v8 =	vsel vm0, $0x100, v0;
	vm1 =	vlt.f32 v7, v5  }
0x22: {  	v9 =	vor.u32 $0x1, v6;
	v7 =	vsel vm0, $0x81, v1;
	v6 =	vsel vm1, v8, v6  }
0x23: {  	v7 =	vsel vm1, v9, v7;
	v8 =	vadd.s32 $0xFFFFFFFF, v6  }
0x24: {  	v9 =	vxor.u32 v8, v7  }
0x25: {  	v8 =	vor.u32 v8, v7;
	v9 =	vshrl.u32 v9, $0x1  }
0x26: {  	v8 =	vsub.s32 v8, v9;
	_ =	sdelay $0x4  }
0x27: {  	v9 =	vld.idx.msk [tilespmem:v8+s1+$0x0], $0xffff;
	_ =	sdelay $0x4  }
0x28: {  	v40 =	vor.u32 $0x1, v8;
	vm12 =	vlt.f32 v9, v5  }
0x29: {  	v7 =	vsel vm12, v40, v7;
	v6 =	vsel vm12, v6, v8  }
0x2a: {  	v8 =	vxor.u32 v7, v6  }
0x2b: {  	v9 =	vand.u32 v7, v6;
	v8 =	vshrl.u32 v8, $0x1  }
0x2c: {  	v8 =	vadd.s32 v8, v9;
	_ =	sdelay $0x4  }
0x2d: {  	v9 =	vld.idx.msk [tilespmem:v8+s1+$0x0], $0xffff;
	_ =	sdelay $0x4  }
0x2e: {  	v41 =	vadd.s32 $0x1, v8;
	vm13 =	vlt.f32 v9, v5  }
0x2f: {  	v7 =	vsel vm13, v41, v7;
	v6 =	vsel vm13, v6, v8  }
0x30: {  	v8 =	vadd.s32 v7, v6  }
0x31: {  	v8 =	vshrl.u32 v8, $0x1;
	_ =	sdelay $0x4  }
0x32: {  	v42 =	vld.idx.msk [tilespmem:v8+s1+$0x0], $0xffff;
	_ =	sdelay $0x4  }
0x33: {  	v43 =	vadd.s32 $0x1, v8;
	vm14 =	vlt.f32 v42, v5  }
0x34: {  	v7 =	vsel vm14, v43, v7;
	v6 =	vsel vm14, v6, v8  }
0x35: {  	v8 =	vadd.s32 v7, v6  }
0x36: {  	v8 =	vshrl.u32 v8, $0x1;
	_ =	sdelay $0x4  }
0x37: {  	v44 =	vld.idx.msk [tilespmem:v8+s1+$0x0], $0xffff;
	_ =	sdelay $0x4  }
0x38: {  	v45 =	vadd.s32 $0x1, v8;
	vm15 =	vlt.f32 v44, v5  }
0x39: {  	v7 =	vsel vm15, v45, v7;
	v6 =	vsel vm15, v6, v8  }
0x3a: {  	v8 =	vadd.s32 v7, v6  }
0x3b: {  	v8 =	vshrl.u32 v8, $0x1;
	_ =	sdelay $0x4  }
0x3c: {  	v46 =	vld.idx.msk [tilespmem:v8+s1+$0x0], $0xffff;
	_ =	sdelay $0x4  }
0x3d: {  	v47 =	vadd.s32 $0x1, v8;
	vm4 =	vlt.f32 v46, v5  }
0x3e: {  	v7 =	vsel vm4, v47, v7;
	v6 =	vsel vm4, v6, v8  }
0x3f: {  	v8 =	vadd.s32 v7, v6  }
0x40: {  	v8 =	vshrl.u32 v8, $0x1;
	_ =	sdelay $0x4  }
0x41: {  	v48 =	vld.idx.msk [tilespmem:v8+s1+$0x0], $0xffff;
	_ =	sdelay $0x4  }
0x42: {  	v49 =	vadd.s32 $0x1, v8;
	vm5 =	vlt.f32 v48, v5  }
0x43: {  	v7 =	vsel vm5, v49, v7;
	v6 =	vsel vm5, v6, v8  }
0x44: {  	v6 =	vadd.s32 v7, v6  }
0x45: {  	v6 =	vshrl.u32 v6, $0x1  }
0x46: {  	v50 =	vmin.u32 v6, $0xFF;
	_ =	sdelay $0x4  }
0x47: {  	v8 =	vld.idx.msk [tilespmem:v50+s1+$0x0], $0xffff;
	_ =	sdelay $0x4  }
0x48: {  	vm6 =	vlt.f32 v8, v5;
	v5 =	vadd.s32 $0x1, v6  }
0x49: {  	v5 =	vsel vm6, v5, v7  }
0x4a: {  	v5 =	vmin.u32 v5, $0xFF  }
0x4b: {  	[tilespmem:s18+$0xFFFFFFF0] =	vst v5  }
0x4c: {  	v5 =	vld [tilespmem:s19+$0x0]  }
0x4d: {  	v6 =	vld.idx.msk [tilespmem:v0+s1+$0x0], $0xffff;
	_ =	sdelay $0x4  }
0x4e: {  	vm7 =	vlt.f32 v6, v5  }
0x4f: {  	v6 =	vsel vm7, $0xC0, v2;
	_ =	sdelay $0x4  }
0x50: {  	v7 =	vld.idx.msk [tilespmem:v6+s1+$0x0], $0xffff;
	_ =	sdelay $0x4  }
0x51: {  	v51 =	vsel vm7, $0x100, v0;
	vm8 =	vlt.f32 v7, v5  }
0x52: {  	v52 =	vor.u32 $0x1, v6;
	v7 =	vsel vm7, $0x81, v1;
	v6 =	vsel vm8, v51, v6  }
0x53: {  	v7 =	vsel vm8, v52, v7;
	v8 =	vadd.s32 $0xFFFFFFFF, v6  }
0x54: {  	v9 =	vxor.u32 v8, v7  }
0x55: {  	v8 =	vor.u32 v8, v7;
	v9 =	vshrl.u32 v9, $0x1  }
0x56: {  	v8 =	vsub.s32 v8, v9;
	_ =	sdelay $0x4  }
0x57: {  	v9 =	vld.idx.msk [tilespmem:v8+s1+$0x0], $0xffff;
	_ =	sdelay $0x4  }
0x58: {  	v53 =	vor.u32 $0x1, v8;
	vm9 =	vlt.f32 v9, v5  }
0x59: {  	v7 =	vsel vm9, v53, v7;
	v6 =	vsel vm9, v6, v8  }
0x5a: {  	v8 =	vxor.u32 v7, v6  }
0x5b: {  	v9 =	vand.u32 v7, v6;
	v8 =	vshrl.u32 v8, $0x1  }
0x5c: {  	v8 =	vadd.s32 v8, v9;
	_ =	sdelay $0x4  }
0x5d: {  	v9 =	vld.idx.msk [tilespmem:v8+s1+$0x0], $0xffff;
	_ =	sdelay $0x4  }
0x5e: {  	v54 =	vadd.s32 $0x1, v8;
	vm10 =	vlt.f32 v9, v5  }
0x5f: {  	v7 =	vsel vm10, v54, v7;
	v6 =	vsel vm10, v6, v8  }
0x60: {  	v8 =	vadd.s32 v7, v6  }
0x61: {  	v8 =	vshrl.u32 v8, $0x1;
	_ =	sdelay $0x4  }
0x62: {  	v55 =	vld.idx.msk [tilespmem:v8+s1+$0x0], $0xffff;
	_ =	sdelay $0x4  }
0x63: {  	v56 =	vadd.s32 $0x1, v8;
	vm11 =	vlt.f32 v55, v5  }
0x64: {  	v7 =	vsel vm11, v56, v7;
	v6 =	vsel vm11, v6, v8  }
0x65: {  	v8 =	vadd.s32 v7, v6  }
0x66: {  	v8 =	vshrl.u32 v8, $0x1;
	_ =	sdelay $0x4  }
0x67: {  	v57 =	vld.idx.msk [tilespmem:v8+s1+$0x0], $0xffff;
	_ =	sdelay $0x4  }
0x68: {  	v58 =	vadd.s32 $0x1, v8;
	vm12 =	vlt.f32 v57, v5  }
0x69: {  	v7 =	vsel vm12, v58, v7;
	v6 =	vsel vm12, v6, v8  }
0x6a: {  	v8 =	vadd.s32 v7, v6  }
0x6b: {  	v8 =	vshrl.u32 v8, $0x1;
	_ =	sdelay $0x4  }
0x6c: {  	v59 =	vld.idx.msk [tilespmem:v8+s1+$0x0], $0xffff;
	_ =	sdelay $0x4  }
0x6d: {  	v60 =	vadd.s32 $0x1, v8;
	vm13 =	vlt.f32 v59, v5  }
0x6e: {  	v7 =	vsel vm13, v60, v7;
	v6 =	vsel vm13, v6, v8  }
0x6f: {  	v8 =	vadd.s32 v7, v6  }
0x70: {  	v8 =	vshrl.u32 v8, $0x1;
	_ =	sdelay $0x4  }
0x71: {  	v61 =	vld.idx.msk [tilespmem:v8+s1+$0x0], $0xffff;
	_ =	sdelay $0x4  }
0x72: {  	v62 =	vadd.s32 $0x1, v8;
	vm14 =	vlt.f32 v61, v5  }
0x73: {  	v7 =	vsel vm14, v62, v7;
	v6 =	vsel vm14, v6, v8  }
0x74: {  	v6 =	vadd.s32 v7, v6  }
0x75: {  	v6 =	vshrl.u32 v6, $0x1  }
0x76: {  	v63 =	vmin.u32 v6, $0xFF;
	_ =	sdelay $0x4  }
0x77: {  	v8 =	vld.idx.msk [tilespmem:v63+s1+$0x0], $0xffff;
	_ =	sdelay $0x1  }
0x78: {  	s13 =	sadd.s32 $0x2, s13  }
0x79: {  	p0 =	slt.u32 s13, $0xE  }
.Ltmp0:
0x7a: {  	_ = 	snop;
	(pc) =	sbr.rel @p0 .LBB2_2-.Ltmp0, $4  }
0x7b: {  	vm15 =	vlt.f32 v8, v5;
	v5 =	vadd.s32 $0x1, v6  }
0x7c: {  	v5 =	vsel vm15, v5, v7  }
0x7d: {  	v5 =	vmin.u32 v5, $0xFF  }
0x7e: {  	s19 =	sadd.s32 $0x20, s19;
	[tilespmem:s18+$0x0] =	vst v5;
	s18 =	sadd.s32 $0x20, s18  }
0x7f: {  	s13 =	rddreg [dreg:$0xb]  }
.LBB2_4:
0x80: {  	s5 =	sshll.u32 s1, $0x3  }
0x81: {  	v5 =	vor.u32 s5, v3;
	_ =	sdelay $0x4  }
0x82: {  	v5 =	vld.idx.msk [tilespmem:v5+s16+$0x0], $0xffff;
	_ =	sdelay $0x2  }
0x83: {  	s8 =	sshll.u32 s1, $0x8;
	s18 =	simm.s32 $0x30;
	s9 =	sadd.s32 $0xFFFFF000, s13  }
0x84: {  	s22 =	sadd.s32 $0xFFFFD000, s13;
	s23 =	simm.s32 $0x0;
	s24 =	sadd.s32 $0xFFFFE000, s13  }
0x85: {  	s6 =	simm.s32 $0x10;
	s7 =	simm.s32 $0x20;
	s19 =	sadd.s32 $0x300, s8;
	v6 =	vshll.u32 v5, $0x3  }
0x86: {  	s20 =	sand.u32 $0x80, s18;
	s21 =	sand.u32 $0x70, s18;
	s25 =	sand.u32 $0x80, s23;
	v5 =	vand.u32 $0x7F, v5;
	v6 =	vand.u32 $0xFFFFFC00, v6  }
0x87: {  	s23 =	sand.u32 $0x40, s23;
	s8 =	sand.u32 $0x80, s7;
	s10 =	sand.u32 $0x80, s6;
	v5 =	vor.u32 v5, v6  }
0x88: {  	s6 =	sand.u32 $0x50, s6;
	s7 =	sand.u32 $0x60, s7;
	s25 =	sadd.s32 s25, s19;
	v5 =	vadd.s32 v4, v5  }
0x89: {  	s12 =	sadd.s32 s10, s19;
	s8 =	sadd.s32 s8, s19;
	s23 =	sadd.s32 s23, s25;
	v6 =	vadd.s32 s22, v5  }
0x8a: {  	s6 =	sadd.s32 s6, s12;
	s25 =	sadd.s32 s20, s19;
	s20 =	simm.s32 $0x0;
	v7 =	vadd.s32 s24, v5;
	[tilespmem:s23+$0x0] =	vst v6  }
0x8b: {  	s22 =	sadd.s32 s7, s8;
	v6 =	vadd.s32 s9, v5;
	s23 =	sadd.s32 s21, s25;
	s21 =	smov.u32 s13;
	[tilespmem:s6+$0x0] =	vst v7;
	v7 =	vadd.s32 s13, v5  }
.LBB2_5:
0x8c: {  	s20 =	sadd.s32 $0x4, s20;
	[tilespmem:s22+$0x0] =	vst v6;
	s18 =	sadd.s32 $0x40, s18;
	s21 =	sadd.s32 $0x4000, s21  }
0x8d: {  	p0 =	slt.u32 s20, $0xC;
	[tilespmem:s23+$0x0] =	vst v7;
	s5 =	sadd.s32 $0xFFFFF000, s21  }
0x8e: {  	s6 =	sand.u32 $0x80, s18;
	s7 =	sand.u32 $0x70, s18;
	s8 =	sadd.s32 $0xFFFFD000, s21  }
0x8f: {  	s22 =	sadd.s32 $0xFFFFFFD0, s18;
	s23 =	sadd.s32 $0xFFFFE000, s21;
	s25 =	sadd.s32 $0xFFFFFFE0, s18  }
0x90: {  	s9 =	sadd.s32 $0xFFFFFFF0, s18;
	s24 =	sand.u32 $0x80, s22;
	s22 =	sand.u32 $0x40, s22  }
.Ltmp1:
0x91: {  	s10 =	sand.u32 $0x80, s9;
	s24 =	sadd.s32 s24, s19;
	(pc) =	sbr.rel @p0 .LBB2_5-.Ltmp1, $4  }
0x92: {  	v6 =	vadd.s32 s8, v5;
	s8 =	sadd.s32 s22, s24;
	s22 =	sand.u32 $0x80, s25;
	s24 =	sand.u32 $0x50, s25  }
0x93: {  	v7 =	vadd.s32 s23, v5;
	s9 =	sand.u32 $0x60, s9;
	s10 =	sadd.s32 s10, s19;
	[tilespmem:s8+$0x0] =	vst v6;
	s8 =	sadd.s32 s22, s19  }
0x94: {  	v6 =	vadd.s32 s5, v5;
	s22 =	sadd.s32 s9, s10;
	s5 =	sadd.s32 s6, s19;
	s8 =	sadd.s32 s24, s8  }
0x95: {  	s23 =	sadd.s32 s7, s5;
	[tilespmem:s8+$0x0] =	vst v7;
	v7 =	vadd.s32 s21, v5  }
0x96: {  	s1 =	sadd.s32 $0x1, s1  }
0x97: {  	p0 =	sne.s32 s1, $0x8  }
.Ltmp2:
0x98: {  	_ = 	snop;
	(pc) =	sbr.rel @p0 .LBB2_4-.Ltmp2, $3  }
0x99: {  	_ =	sdelay $0x1  }
0x9a: {  	[tilespmem:s22+$0x0] =	vst v6  }
0x9b: {  	s13 =	sadd.s32 $0x10000, s13;
	[tilespmem:s23+$0x0] =	vst v7  }
0x9c: {  	s1 =	simm.s32 $0x300;
	s5 =	simm.s32 $0x2300  }
0x9d: {  	[tilespmem:s5], [sflag:$0x1] =	stream.indirect.gather [hbm4b:s2+s17], $0x1, s1, s17, $0xb8;
	[tilespmem:$0x14380] =	vst v63  }
0x9e: {  	s13 =	smov.u32 s11;
	s1 =	simm.s32 $0x0  }
.LBB2_8:
0x9f: {  	s5 =	sor.u32 $0x8, s1  }
0xa0: {  	s6 =	sshll.u32 s5, $0x3  }
0xa1: {  	v5 =	vor.u32 s6, v3;
	_ =	sdelay $0x4  }
0xa2: {  	v5 =	vld.idx.msk [tilespmem:v5+s16+$0x0], $0xffff  }
0xa3: {  	s20 =	simm.s32 $0x0  }
0xa4: {  	s21 =	simm.s32 $0x70;
	s22 =	simm.s32 $0x4000;
	s7 =	simm.s32 $0x0  }
0xa5: {  	s8 =	simm.s32 $0x20;
	s10 =	simm.s32 $0x10;
	s5 =	sshll.u32 s5, $0x8  }
0xa6: {  	s9 =	sand.u32 $0x80, s7;
	s24 =	sand.u32 $0x60, s8;
	s23 =	sand.u32 $0x80, s10  }
0xa7: {  	s7 =	sand.u32 $0x40, s7;
	s8 =	sand.u32 $0x80, s8;
	s6 =	simm.s32 $0x30;
	v6 =	vshll.u32 v5, $0x3  }
0xa8: {  	s19 =	sadd.s32 $0x300, s5;
	s5 =	sadd.s32 $0x0, s13;
	s18 =	sand.u32 $0x70, s6;
	v5 =	vand.u32 $0x7F, v5;
	v6 =	vand.u32 $0xFFFFFC00, v6  }
0xa9: {  	s9 =	sadd.s32 s9, s19;
	s25 =	sadd.s32 $0x82000, s5;
	s12 =	sadd.s32 s23, s19;
	v5 =	vor.u32 v5, v6  }
0xaa: {  	s8 =	sadd.s32 s8, s19;
	s23 =	sadd.s32 s7, s9;
	s7 =	sadd.s32 $0x81000, s5;
	v5 =	vadd.s32 v4, v5  }
0xab: {  	s9 =	sand.u32 $0x50, s10;
	s10 =	sadd.s32 $0x80000, s5;
	s5 =	sadd.s32 $0x83000, s5;
	v6 =	vadd.s32 s25, v5  }
0xac: {  	s24 =	sadd.s32 s24, s8;
	v9 =	vadd.s32 s10, v5;
	v8 =	vadd.s32 s7, v5;
	s25 =	sadd.s32 s9, s12;
	v7 =	vadd.s32 s5, v5;
	s5 =	sand.u32 $0x80, s6  }
.LBB2_9:
0xad: {  	s6 =	sand.u32 $0x70, s21;
	s20 =	sadd.s32 $0x4, s20;
	[tilespmem:s23+$0x0] =	vst v9;
	s5 =	sadd.s32 s5, s19  }
0xae: {  	p0 =	slt.u32 s20, $0xC;
	[tilespmem:s25+$0x0] =	vst v8;
	s5 =	sadd.s32 s18, s5;
	s18 =	smov.u32 s6  }
0xaf: {  	s7 =	smov.u32 s22;
	s6 =	smov.u32 s21;
	[tilespmem:s24+$0x0] =	vst v6  }
0xb0: {  	s22 =	sadd.s32 $0x4000, s22;
	s21 =	sadd.s32 $0x40, s21;
	s8 =	sadd.s32 $0xFFFFFFF0, s6;
	[tilespmem:s5+$0x0] =	vst v7  }
0xb1: {  	s10 =	sadd.s32 $0xFFFFFFE0, s6;
	s5 =	sadd.s32 s7, s13;
	s7 =	sadd.s32 $0xFFFFFFD0, s6  }
0xb2: {  	s12 =	sand.u32 $0x60, s8;
	s23 =	sand.u32 $0x80, s10;
	s9 =	sand.u32 $0x80, s7  }
.Ltmp3:
0xb3: {  	s24 =	sadd.s32 $0x82000, s5;
	s9 =	sadd.s32 s9, s19;
	(pc) =	sbr.rel @p0 .LBB2_9-.Ltmp3, $4  }
0xb4: {  	s8 =	sand.u32 $0x80, s8;
	s7 =	sand.u32 $0x40, s7;
	s25 =	sadd.s32 s23, s19  }
0xb5: {  	s23 =	sadd.s32 s7, s9;
	s7 =	sadd.s32 $0x81000, s5;
	s9 =	sand.u32 $0x50, s10  }
0xb6: {  	s8 =	sadd.s32 s8, s19;
	v6 =	vadd.s32 s24, v5;
	s10 =	sadd.s32 $0x80000, s5;
	s5 =	sadd.s32 $0x83000, s5  }
0xb7: {  	s24 =	sadd.s32 s12, s8;
	v9 =	vadd.s32 s10, v5;
	v8 =	vadd.s32 s7, v5;
	s25 =	sadd.s32 s9, s25;
	v7 =	vadd.s32 s5, v5;
	s5 =	sand.u32 $0x80, s6  }
0xb8: {  	s1 =	sadd.s32 $0x1, s1  }
0xb9: {  	p0 =	sne.s32 s1, $0x8  }
.Ltmp4:
0xba: {  	_ = 	snop;
	(pc) =	sbr.rel @p0 .LBB2_8-.Ltmp4, $4  }
0xbb: {  	[tilespmem:s23+$0x0] =	vst v9  }
0xbc: {  	s5 =	sadd.s32 s5, s19;
	[tilespmem:s25+$0x0] =	vst v8  }
0xbd: {  	s5 =	sadd.s32 s18, s5;
	[tilespmem:s24+$0x0] =	vst v6  }
0xbe: {  	s13 =	sadd.s32 $0x10000, s13;
	[tilespmem:s5+$0x0] =	vst v7  }
0xbf: {  	s1 =	simm.s32 $0xB00;
	s5 =	simm.s32 $0x2B00  }
0xc0: {  	[tilespmem:s5], [sflag:$0x2] =	stream.indirect.gather [hbm4b:s2+s17], $0x1, s1, s17, $0xb8;
	[tilespmem:$0x14380] =	vst v63  }
0xc1: {  	s13 =	smov.u32 s11;
	s1 =	simm.s32 $0x0  }
.LBB2_12:
0xc2: {  	s5 =	sor.u32 $0x10, s1  }
0xc3: {  	s6 =	sshll.u32 s5, $0x3  }
0xc4: {  	v5 =	vor.u32 s6, v3;
	_ =	sdelay $0x4  }
0xc5: {  	v5 =	vld.idx.msk [tilespmem:v5+s16+$0x0], $0xffff  }
0xc6: {  	s20 =	simm.s32 $0x0  }
0xc7: {  	s21 =	simm.s32 $0x70;
	s22 =	simm.s32 $0x4000;
	s7 =	simm.s32 $0x0  }
0xc8: {  	s8 =	simm.s32 $0x20;
	s10 =	simm.s32 $0x10;
	s5 =	sshll.u32 s5, $0x8  }
0xc9: {  	s9 =	sand.u32 $0x80, s7;
	s12 =	sand.u32 $0x60, s8;
	s23 =	sand.u32 $0x80, s10  }
0xca: {  	s7 =	sand.u32 $0x40, s7;
	s8 =	sand.u32 $0x80, s8;
	s6 =	simm.s32 $0x30;
	v6 =	vshll.u32 v5, $0x3  }
0xcb: {  	s19 =	sadd.s32 $0x300, s5;
	s5 =	sadd.s32 $0x0, s13;
	s18 =	sand.u32 $0x70, s6;
	v5 =	vand.u32 $0x7F, v5;
	v6 =	vand.u32 $0xFFFFFC00, v6  }
0xcc: {  	s9 =	sadd.s32 s9, s19;
	s24 =	sadd.s32 $0x102000, s5;
	s25 =	sadd.s32 s23, s19;
	v5 =	vor.u32 v5, v6  }
0xcd: {  	s8 =	sadd.s32 s8, s19;
	s23 =	sadd.s32 s7, s9;
	s7 =	sadd.s32 $0x101000, s5;
	v5 =	vadd.s32 v4, v5  }
0xce: {  	s9 =	sand.u32 $0x50, s10;
	s10 =	sadd.s32 $0x100000, s5;
	s5 =	sadd.s32 $0x103000, s5;
	v6 =	vadd.s32 s24, v5  }
0xcf: {  	s25 =	sadd.s32 s9, s25;
	v9 =	vadd.s32 s10, v5;
	v8 =	vadd.s32 s7, v5;
	s24 =	sadd.s32 s12, s8;
	v7 =	vadd.s32 s5, v5;
	s5 =	sand.u32 $0x80, s6  }
.LBB2_13:
0xd0: {  	s6 =	sand.u32 $0x70, s21;
	s20 =	sadd.s32 $0x4, s20;
	[tilespmem:s23+$0x0] =	vst v9;
	s5 =	sadd.s32 s5, s19  }
0xd1: {  	p0 =	slt.u32 s20, $0xC;
	[tilespmem:s25+$0x0] =	vst v8;
	s5 =	sadd.s32 s18, s5;
	s18 =	smov.u32 s6  }
0xd2: {  	s7 =	smov.u32 s22;
	s6 =	smov.u32 s21;
	[tilespmem:s24+$0x0] =	vst v6  }
0xd3: {  	s22 =	sadd.s32 $0x4000, s22;
	s21 =	sadd.s32 $0x40, s21;
	s8 =	sadd.s32 $0xFFFFFFF0, s6;
	[tilespmem:s5+$0x0] =	vst v7  }
0xd4: {  	s10 =	sadd.s32 $0xFFFFFFE0, s6;
	s5 =	sadd.s32 s7, s13;
	s7 =	sadd.s32 $0xFFFFFFD0, s6  }
0xd5: {  	s12 =	sand.u32 $0x60, s8;
	s23 =	sand.u32 $0x80, s10;
	s9 =	sand.u32 $0x80, s7  }
.Ltmp5:
0xd6: {  	s24 =	sadd.s32 $0x102000, s5;
	s9 =	sadd.s32 s9, s19;
	(pc) =	sbr.rel @p0 .LBB2_13-.Ltmp5, $4  }
0xd7: {  	s8 =	sand.u32 $0x80, s8;
	s7 =	sand.u32 $0x40, s7;
	s25 =	sadd.s32 s23, s19  }
0xd8: {  	s23 =	sadd.s32 s7, s9;
	s7 =	sadd.s32 $0x101000, s5;
	s9 =	sand.u32 $0x50, s10  }
0xd9: {  	s8 =	sadd.s32 s8, s19;
	v6 =	vadd.s32 s24, v5;
	s10 =	sadd.s32 $0x100000, s5;
	s5 =	sadd.s32 $0x103000, s5  }
0xda: {  	s24 =	sadd.s32 s12, s8;
	v9 =	vadd.s32 s10, v5;
	v8 =	vadd.s32 s7, v5;
	s25 =	sadd.s32 s9, s25;
	v7 =	vadd.s32 s5, v5;
	s5 =	sand.u32 $0x80, s6  }
0xdb: {  	s1 =	sadd.s32 $0x1, s1  }
0xdc: {  	p0 =	sne.s32 s1, $0x8  }
.Ltmp6:
0xdd: {  	_ = 	snop;
	(pc) =	sbr.rel @p0 .LBB2_12-.Ltmp6, $4  }
0xde: {  	[tilespmem:s23+$0x0] =	vst v9  }
0xdf: {  	s5 =	sadd.s32 s5, s19;
	[tilespmem:s25+$0x0] =	vst v8  }
0xe0: {  	s5 =	sadd.s32 s18, s5;
	[tilespmem:s24+$0x0] =	vst v6  }
0xe1: {  	s13 =	sadd.s32 $0x10000, s13;
	[tilespmem:s5+$0x0] =	vst v7  }
0xe2: {  	s1 =	simm.s32 $0x1300;
	s5 =	simm.s32 $0x3300  }
0xe3: {  	[tilespmem:s5], [sflag:$0x3] =	stream.indirect.gather [hbm4b:s2+s17], $0x1, s1, s17, $0xb8;
	[tilespmem:$0x14380] =	vst v63  }
0xe4: {  	s13 =	smov.u32 s11;
	s1 =	simm.s32 $0x0  }
.LBB2_16:
0xe5: {  	s5 =	sor.u32 $0x18, s1  }
0xe6: {  	s6 =	sshll.u32 s5, $0x3  }
0xe7: {  	v5 =	vor.u32 s6, v3;
	_ =	sdelay $0x4  }
0xe8: {  	v5 =	vld.idx.msk [tilespmem:v5+s16+$0x0], $0xffff  }
0xe9: {  	s20 =	simm.s32 $0x0  }
0xea: {  	s21 =	simm.s32 $0x70;
	s22 =	simm.s32 $0x4000;
	s7 =	simm.s32 $0x0  }
0xeb: {  	s8 =	simm.s32 $0x20;
	s10 =	simm.s32 $0x10;
	s5 =	sshll.u32 s5, $0x8  }
0xec: {  	s9 =	sand.u32 $0x80, s7;
	s12 =	sand.u32 $0x60, s8;
	s23 =	sand.u32 $0x80, s10  }
0xed: {  	s7 =	sand.u32 $0x40, s7;
	s8 =	sand.u32 $0x80, s8;
	s6 =	simm.s32 $0x30;
	v6 =	vshll.u32 v5, $0x3  }
0xee: {  	s19 =	sadd.s32 $0x300, s5;
	s5 =	sadd.s32 $0x0, s13;
	s18 =	sand.u32 $0x70, s6;
	v5 =	vand.u32 $0x7F, v5;
	v6 =	vand.u32 $0xFFFFFC00, v6  }
0xef: {  	s9 =	sadd.s32 s9, s19;
	s24 =	sadd.s32 $0x182000, s5;
	s25 =	sadd.s32 s23, s19;
	v5 =	vor.u32 v5, v6  }
0xf0: {  	s8 =	sadd.s32 s8, s19;
	s23 =	sadd.s32 s7, s9;
	s7 =	sadd.s32 $0x181000, s5;
	v5 =	vadd.s32 v4, v5  }
0xf1: {  	s9 =	sand.u32 $0x50, s10;
	s10 =	sadd.s32 $0x180000, s5;
	s5 =	sadd.s32 $0x183000, s5;
	v6 =	vadd.s32 s24, v5  }
0xf2: {  	s25 =	sadd.s32 s9, s25;
	v9 =	vadd.s32 s10, v5;
	v8 =	vadd.s32 s7, v5;
	s24 =	sadd.s32 s12, s8;
	v7 =	vadd.s32 s5, v5;
	s5 =	sand.u32 $0x80, s6  }
.LBB2_17:
0xf3: {  	s6 =	sand.u32 $0x70, s21;
	s20 =	sadd.s32 $0x4, s20;
	[tilespmem:s23+$0x0] =	vst v9;
	s5 =	sadd.s32 s5, s19  }
0xf4: {  	p0 =	slt.u32 s20, $0xC;
	[tilespmem:s25+$0x0] =	vst v8;
	s5 =	sadd.s32 s18, s5;
	s18 =	smov.u32 s6  }
0xf5: {  	s7 =	smov.u32 s22;
	s6 =	smov.u32 s21;
	[tilespmem:s24+$0x0] =	vst v6  }
0xf6: {  	s22 =	sadd.s32 $0x4000, s22;
	s21 =	sadd.s32 $0x40, s21;
	s8 =	sadd.s32 $0xFFFFFFF0, s6;
	[tilespmem:s5+$0x0] =	vst v7  }
0xf7: {  	s10 =	sadd.s32 $0xFFFFFFE0, s6;
	s5 =	sadd.s32 s7, s13;
	s7 =	sadd.s32 $0xFFFFFFD0, s6  }
0xf8: {  	s12 =	sand.u32 $0x60, s8;
	s23 =	sand.u32 $0x80, s10;
	s9 =	sand.u32 $0x80, s7  }
.Ltmp7:
0xf9: {  	s24 =	sadd.s32 $0x182000, s5;
	s9 =	sadd.s32 s9, s19;
	(pc) =	sbr.rel @p0 .LBB2_17-.Ltmp7, $4  }
0xfa: {  	s8 =	sand.u32 $0x80, s8;
	s7 =	sand.u32 $0x40, s7;
	s25 =	sadd.s32 s23, s19  }
0xfb: {  	s23 =	sadd.s32 s7, s9;
	s7 =	sadd.s32 $0x181000, s5;
	s9 =	sand.u32 $0x50, s10  }
0xfc: {  	s8 =	sadd.s32 s8, s19;
	v6 =	vadd.s32 s24, v5;
	s10 =	sadd.s32 $0x180000, s5;
	s5 =	sadd.s32 $0x183000, s5  }
0xfd: {  	s24 =	sadd.s32 s12, s8;
	v9 =	vadd.s32 s10, v5;
	v8 =	vadd.s32 s7, v5;
	s25 =	sadd.s32 s9, s25;
	v7 =	vadd.s32 s5, v5;
	s5 =	sand.u32 $0x80, s6  }
0xfe: {  	s1 =	sadd.s32 $0x1, s1  }
0xff: {  	p0 =	sne.s32 s1, $0x8  }
.Ltmp8:
0x100: {  	_ = 	snop;
	(pc) =	sbr.rel @p0 .LBB2_16-.Ltmp8, $4  }
0x101: {  	[tilespmem:s23+$0x0] =	vst v9  }
0x102: {  	s5 =	sadd.s32 s5, s19;
	[tilespmem:s25+$0x0] =	vst v8  }
0x103: {  	s5 =	sadd.s32 s18, s5;
	[tilespmem:s24+$0x0] =	vst v6  }
0x104: {  	s13 =	sadd.s32 $0x10000, s13;
	[tilespmem:s5+$0x0] =	vst v7  }
0x105: {  	s1 =	simm.s32 $0x1B00;
	s5 =	simm.s32 $0x3B00  }
0x106: {  	[tilespmem:s5], [sflag:$0x4] =	stream.indirect.gather [hbm4b:s2+s17], $0x1, s1, s17, $0xb8;
	[tilespmem:$0x14380] =	vst v63  }
0x107: {  	_ =	swait.ge [sflag:s26], $0x800  }
0x108: {  	[sflag:s26] =	ssyncset.done $0x0  }
0x109: {  	s25 =	simm.s32 $0x2310;
	[sflag:s26] =	ssyncadd.s32 $0xFFFFF800  }
0x10a: {  	v5 =	vld [tilespmem:s25+$0xFFFFFFF0];
	_ =	sdelay $0x3  }
0x10b: {  	s1 =	simm.s32 $0x4480  }
0x10c: {  	[tilespmem:s1+$0xFFFFFF00] =	vst v5  }
0x10d: {  	v5 =	vld [tilespmem:s25+$0xFFFFFFF8];
	_ =	sdelay $0x4  }
0x10e: {  	[tilespmem:s1+$0xFFFFFF80] =	vst v5  }
0x10f: {  	v5 =	vld [tilespmem:s25+$0x0];
	_ =	sdelay $0x4  }
0x110: {  	[tilespmem:s1+$0x0] =	vst v5  }
0x111: {  	v5 =	vld [tilespmem:s25+$0x8];
	_ =	sdelay $0x4  }
0x112: {  	s13 =	simm.s32 $0x0;
	s18 =	simm.s32 $0x2330;
	[tilespmem:s1+$0x80] =	vst v5  }
.LBB2_20:
0x113: {  	v5 =	vld [tilespmem:s18+$0xFFFFFFF0];
	s13 =	sadd.s32 $0x4, s13  }
0x114: {  	p0 =	slt.u32 s13, $0xFC;
	_ =	sdelay $0x2  }
0x115: {  	s1 =	sadd.s32 $0x200, s1  }
0x116: {  	[tilespmem:s1+$0xFFFFFF00] =	vst v5  }
0x117: {  	v5 =	vld [tilespmem:s18+$0xFFFFFFF8];
	_ =	sdelay $0x4  }
0x118: {  	[tilespmem:s1+$0xFFFFFF80] =	vst v5  }
0x119: {  	v5 =	vld [tilespmem:s18+$0x0];
	_ =	sdelay $0x4  }
0x11a: {  	[tilespmem:s1+$0x0] =	vst v5  }
0x11b: {  	v5 =	vld [tilespmem:s18+$0x8]  }
.Ltmp9:
0x11c: {  	(pc) =	sbr.rel @p0 .LBB2_20-.Ltmp9, $2  }
0x11d: {  	_ =	sdelay $0x2  }
0x11e: {  	s18 =	sadd.s32 $0x20, s18;
	[tilespmem:s1+$0x80] =	vst v5  }
0x11f: {  	s1 =	simm.s32 $0x0;
	s5 =	rddreg [dreg:$0x6]  }
0x120: {  	[hbm4b:s5+s1] =	stream.linear.scatter [tilespmem:s28], [sflag:$0x5], $0x8000, $0x38;
	[tilespmem:$0x14380] =	vst v63  }
0x121: {  	_ =	swait.ge [sflag:s29], $0x800  }
0x122: {  	[sflag:s29] =	ssyncset.done $0x0  }
0x123: {  	s1 =	sand.u32 $0x7E0, s1;
	[sflag:s29] =	ssyncadd.s32 $0xFFFFF800  }
0x124: {  	v5 =	vld [tilespmem:s1+$0x2B00];
	_ =	sdelay $0x3  }
0x125: {  	s23 =	simm.s32 $0x8;
	s1 =	simm.s32 $0xC480  }
0x126: {  	s5 =	sand.u32 $0x7E8, s23;
	[tilespmem:s1+$0xFFFFFF00] =	vst v5  }
0x127: {  	v5 =	vld [tilespmem:s5+$0x2B00];
	_ =	sdelay $0x3  }
0x128: {  	s24 =	simm.s32 $0x10  }
0x129: {  	s5 =	sand.u32 $0x7F0, s24;
	[tilespmem:s1+$0xFFFFFF80] =	vst v5  }
0x12a: {  	v5 =	vld [tilespmem:s5+$0x2B00];
	_ =	sdelay $0x3  }
0x12b: {  	s25 =	simm.s32 $0x18  }
0x12c: {  	s5 =	sand.u32 $0x7F8, s25;
	[tilespmem:s1+$0x0] =	vst v5  }
0x12d: {  	v5 =	vld [tilespmem:s5+$0x2B00];
	_ =	sdelay $0x3  }
0x12e: {  	s13 =	simm.s32 $0x0;
	s18 =	simm.s32 $0x20  }
.LBB2_22:
0x12f: {  	s5 =	sand.u32 $0x7E0, s18;
	s13 =	sadd.s32 $0x4, s13;
	[tilespmem:s1+$0x80] =	vst v5  }
0x130: {  	v5 =	vld [tilespmem:s5+$0x2B00];
	p0 =	slt.u32 s13, $0xFC;
	_ =	sdelay $0x3  }
0x131: {  	s1 =	sadd.s32 $0x200, s1;
	s5 =	sadd.s32 $0x8, s18  }
0x132: {  	s5 =	sand.u32 $0x7E8, s5;
	[tilespmem:s1+$0xFFFFFF00] =	vst v5  }
0x133: {  	v5 =	vld [tilespmem:s5+$0x2B00];
	_ =	sdelay $0x3  }
0x134: {  	s5 =	sadd.s32 $0x10, s18  }
0x135: {  	s5 =	sand.u32 $0x7F0, s5;
	[tilespmem:s1+$0xFFFFFF80] =	vst v5  }
0x136: {  	v5 =	vld [tilespmem:s5+$0x2B00];
	_ =	sdelay $0x3  }
0x137: {  	s5 =	sadd.s32 $0x18, s18  }
0x138: {  	s5 =	sand.u32 $0x7F8, s5;
	[tilespmem:s1+$0x0] =	vst v5  }
.Ltmp10:
0x139: {  	v5 =	vld [tilespmem:s5+$0x2B00];
	(pc) =	sbr.rel @p0 .LBB2_22-.Ltmp10, $2  }
0x13a: {  	_ =	sdelay $0x2  }
0x13b: {  	s18 =	sadd.s32 $0x20, s18  }
0x13c: {  	[tilespmem:s1+$0x80] =	vst v5;
	s22 =	simm.s32 $0x0;
	s5 =	rddreg [dreg:$0x7]  }
0x13d: {  	[hbm4b:s5+s22] =	stream.linear.scatter [tilespmem:s30], [sflag:$0x6], $0x8000, $0x38;
	[tilespmem:$0x14380] =	vst v63  }
0x13e: {  	_ =	swait.ge [sflag:s31], $0x800  }
0x13f: {  	[sflag:s31] =	ssyncset.done $0x0  }
0x140: {  	[sflag:s31] =	ssyncadd.s32 $0xFFFFF800  }
0x141: {  	_ =	swait.ge [sflag:s14], $0x8000  }
0x142: {  	[sflag:s14] =	ssyncset.done $0x0  }
0x143: {  	s1 =	sand.u32 $0x7E0, s22;
	[sflag:s14] =	ssyncadd.s32 $0xFFFF8000  }
0x144: {  	v5 =	vld [tilespmem:s1+$0x3300];
	_ =	sdelay $0x3  }
0x145: {  	s23 =	simm.s32 $0x8;
	s1 =	simm.s32 $0x4480  }
0x146: {  	s5 =	sand.u32 $0x7E8, s23;
	[tilespmem:s1+$0xFFFFFF00] =	vst v5  }
0x147: {  	v5 =	vld [tilespmem:s5+$0x3300];
	_ =	sdelay $0x3  }
0x148: {  	s24 =	simm.s32 $0x10  }
0x149: {  	s5 =	sand.u32 $0x7F0, s24;
	[tilespmem:s1+$0xFFFFFF80] =	vst v5  }
0x14a: {  	v5 =	vld [tilespmem:s5+$0x3300];
	_ =	sdelay $0x3  }
0x14b: {  	s25 =	simm.s32 $0x18  }
0x14c: {  	s5 =	sand.u32 $0x7F8, s25;
	[tilespmem:s1+$0x0] =	vst v5  }
0x14d: {  	v5 =	vld [tilespmem:s5+$0x3300];
	_ =	sdelay $0x3  }
0x14e: {  	s13 =	simm.s32 $0x0;
	s18 =	simm.s32 $0x20  }
.LBB2_24:
0x14f: {  	s5 =	sand.u32 $0x7E0, s18;
	s13 =	sadd.s32 $0x4, s13;
	[tilespmem:s1+$0x80] =	vst v5  }
0x150: {  	v5 =	vld [tilespmem:s5+$0x3300];
	p0 =	slt.u32 s13, $0xFC;
	_ =	sdelay $0x3  }
0x151: {  	s1 =	sadd.s32 $0x200, s1;
	s5 =	sadd.s32 $0x8, s18  }
0x152: {  	s5 =	sand.u32 $0x7E8, s5;
	[tilespmem:s1+$0xFFFFFF00] =	vst v5  }
0x153: {  	v5 =	vld [tilespmem:s5+$0x3300];
	_ =	sdelay $0x3  }
0x154: {  	s5 =	sadd.s32 $0x10, s18  }
0x155: {  	s5 =	sand.u32 $0x7F0, s5;
	[tilespmem:s1+$0xFFFFFF80] =	vst v5  }
0x156: {  	v5 =	vld [tilespmem:s5+$0x3300];
	_ =	sdelay $0x3  }
0x157: {  	s5 =	sadd.s32 $0x18, s18  }
0x158: {  	s5 =	sand.u32 $0x7F8, s5;
	[tilespmem:s1+$0x0] =	vst v5  }
.Ltmp11:
0x159: {  	v5 =	vld [tilespmem:s5+$0x3300];
	(pc) =	sbr.rel @p0 .LBB2_24-.Ltmp11, $2  }
0x15a: {  	_ =	sdelay $0x2  }
0x15b: {  	s18 =	sadd.s32 $0x20, s18  }
0x15c: {  	[tilespmem:s1+$0x80] =	vst v5;
	s22 =	simm.s32 $0x0;
	s5 =	rddreg [dreg:$0x8]  }
0x15d: {  	[hbm4b:s5+s22] =	stream.linear.scatter [tilespmem:s28], [sflag:$0x5], $0x8000, $0x38;
	[tilespmem:$0x14380] =	vst v63  }
0x15e: {  	_ =	swait.ge [sflag:s0], $0x800  }
0x15f: {  	[sflag:s0] =	ssyncset.done $0x0  }
0x160: {  	[sflag:s0] =	ssyncadd.s32 $0xFFFFF800  }
0x161: {  	_ =	swait.ge [sflag:s15], $0x8000  }
0x162: {  	[sflag:s15] =	ssyncset.done $0x0  }
0x163: {  	s1 =	sand.u32 $0x7E0, s22;
	[sflag:s15] =	ssyncadd.s32 $0xFFFF8000  }
0x164: {  	v5 =	vld [tilespmem:s1+$0x3B00];
	_ =	sdelay $0x3  }
0x165: {  	s23 =	simm.s32 $0x8;
	s1 =	simm.s32 $0xC480  }
0x166: {  	s5 =	sand.u32 $0x7E8, s23;
	[tilespmem:s1+$0xFFFFFF00] =	vst v5  }
0x167: {  	v5 =	vld [tilespmem:s5+$0x3B00];
	_ =	sdelay $0x3  }
0x168: {  	s24 =	simm.s32 $0x10  }
0x169: {  	s5 =	sand.u32 $0x7F0, s24;
	[tilespmem:s1+$0xFFFFFF80] =	vst v5  }
0x16a: {  	v5 =	vld [tilespmem:s5+$0x3B00];
	_ =	sdelay $0x3  }
0x16b: {  	s25 =	simm.s32 $0x18  }
0x16c: {  	s5 =	sand.u32 $0x7F8, s25;
	[tilespmem:s1+$0x0] =	vst v5  }
0x16d: {  	v5 =	vld [tilespmem:s5+$0x3B00];
	_ =	sdelay $0x3  }
0x16e: {  	s13 =	simm.s32 $0x0;
	s18 =	simm.s32 $0x20  }
.LBB2_26:
0x16f: {  	s5 =	sand.u32 $0x7E0, s18;
	s13 =	sadd.s32 $0x4, s13;
	[tilespmem:s1+$0x80] =	vst v5  }
0x170: {  	v5 =	vld [tilespmem:s5+$0x3B00];
	p0 =	slt.u32 s13, $0xFC;
	_ =	sdelay $0x3  }
0x171: {  	s1 =	sadd.s32 $0x200, s1;
	s5 =	sadd.s32 $0x8, s18  }
0x172: {  	s5 =	sand.u32 $0x7E8, s5;
	[tilespmem:s1+$0xFFFFFF00] =	vst v5  }
0x173: {  	v5 =	vld [tilespmem:s5+$0x3B00];
	_ =	sdelay $0x3  }
0x174: {  	s5 =	sadd.s32 $0x10, s18  }
0x175: {  	s5 =	sand.u32 $0x7F0, s5;
	[tilespmem:s1+$0xFFFFFF80] =	vst v5  }
0x176: {  	v5 =	vld [tilespmem:s5+$0x3B00];
	_ =	sdelay $0x3  }
0x177: {  	s5 =	sadd.s32 $0x18, s18  }
0x178: {  	s5 =	sand.u32 $0x7F8, s5;
	[tilespmem:s1+$0x0] =	vst v5  }
.Ltmp12:
0x179: {  	v5 =	vld [tilespmem:s5+$0x3B00];
	(pc) =	sbr.rel @p0 .LBB2_26-.Ltmp12, $2  }
0x17a: {  	_ =	sdelay $0x2  }
0x17b: {  	s18 =	sadd.s32 $0x20, s18  }
0x17c: {  	[tilespmem:s1+$0x80] =	vst v5;
	s24 =	rddreg [dreg:$0x9]  }
0x17d: {  	[hbm4b:s24+s4] =	stream.linear.scatter [tilespmem:s30], [sflag:$0x6], $0x8000, $0x38;
	[tilespmem:$0x14380] =	vst v63  }
0x17e: {  	_ =	swait.ge [sflag:s14], $0x8000  }
0x17f: {  	[sflag:s14] =	ssyncset.done $0x0  }
0x180: {  	[sflag:s14] =	ssyncadd.s32 $0xFFFF8000  }
0x181: {  	_ =	swait.ge [sflag:s15], $0x8000  }
0x182: {  	s3 =	sadd.s32 $0x1, s3;
	s25 =	rddreg [dreg:$0xa]  }
0x183: {  	p0 =	sne.s32 s3, s25  }
.Ltmp13:
0x184: {  	_ = 	snop;
	(pc) =	sbr.rel @p0 .LBB2_1-.Ltmp13, $3  }
0x185: {  	_ =	sdelay $0x1  }
0x186: {  	[sflag:s15] =	ssyncset.done $0x0  }
0x187: {  	[sflag:s15] =	ssyncadd.s32 $0xFFFF8000  }
0x188: {  	_ =	sfence.sel $0x180000  }
0x189: {  	[bflag:$0x0] =	sbarrier.arrive $0xFFFF  }
0x18a: {  	_ =	strace $0x90000047  }
0x18b: {  	s0 =	stileid.u32;
	[bflag:$0x2] =	sbarrier.arrive $0xFFFF  }
0x18c: {  	p0 =	sne.s32 s0, $0x0;
	s0 =	rddreg [dreg:$0x4]  }
0x18d: {  	s0 =	sadd.s32 @!p0 $0x100000, s0  }
0x18e: {  	[sflag:s0] =	ssyncadd.tile.s32 @!p0 $0x1;
	_ =	shalt  }
.Lfunc_end2:
_tile_overlayer_lowered:
.L_overlay_start_2:
0x18f: {  	(tag) =	ssettag $0x2  }
0x190: {  	s0 =	rddreg [dreg:$0x0];
	s2 =	stileid.u32  }
0x191: {  	s1 =	rddreg [dreg:$0x1];
	p0 =	sne.s32 s2, $0x0  }
0x192: {  	s3 =	rddreg [dreg:$0x2];
	[bflag:$0x3] =	sbarrier.arrive $0xFFFF;
	s2 =	simm.s32 @!p0 $0x1C07  }
0x193: {  	[timem:s3], [sflag:s2] =	dma.local @!p0 [hbm:s0], s1  }
0x194: {  	s0 =	simm.s32 @!p0 $0x7  }
0x195: {  	_ =	swait.ge @!p0 [sflag:s0], s1  }
0x196: {  	s1 =	ssub.s32 @!p0 $0x0, s1;
	[sflag:s0] =	ssyncset.done @!p0 $0x0  }
0x197: {  	[sflag:s0] =	ssyncadd.s32 @!p0 s1  }
0x198: {  	[bflag:$0x3] =	sbarrier.arrive $0xFFFF  }
0x199: {  	_ =	shalt  }

</sc_bundles>
